<compile_context>
chip_gen: v7x
topology: tpu7x:2x2x1
jax: 0.10.2.dev20260603
libtpu: 0.0.44.dev20260713+nightly
codegen_flags: <defaults>
</compile_context>

<pallas_src>
import functools

import jax
import jax.numpy as jnp
from jax import lax
from jax.experimental import pallas as pl
from jax.experimental.pallas import tpu as pltpu
from jax.experimental.pallas import tpu_sc as plsc

_NC = 2
_NS = 16
_NW = _NC * _NS
_K = 128


def _lin_relu_body(x_ref, wt_ref, b_ref, o_ref):
    o_ref[...] = jnp.maximum(
        jnp.dot(x_ref[...], wt_ref[...], preferred_element_type=jnp.float32)
        + b_ref[...],
        0.0,
    )


def _lin_relu(x, wt, b2, br):
    n, d = x.shape
    grid = (n // br,)
    return pl.pallas_call(
        _lin_relu_body,
        grid=grid,
        in_specs=[
            pl.BlockSpec((br, d), lambda i: (i, 0)),
            pl.BlockSpec((d, d), lambda i: (0, 0)),
            pl.BlockSpec((1, d), lambda i: (0, 0)),
        ],
        out_specs=pl.BlockSpec((br, d), lambda i: (i, 0)),
        out_shape=jax.ShapeDtypeStruct((n, d), jnp.float32),
    )(x, wt, b2)


def _sc_aggregate(m, ei, n, d, n_pad, e):
    zr = n_pad // _NS
    total_chunks = e // _K
    q = total_chunks // _NW
    r = total_chunks - q * _NW
    if q % 2:
        q -= 1
        r += _NW
    mesh = plsc.VectorSubcoreMesh(core_axis_name="c", subcore_axis_name="s")

    @functools.partial(
        pl.kernel,
        out_type=jax.ShapeDtypeStruct((_NC, n_pad, d), jnp.float32),
        mesh=mesh,
        scratch_types=[
            pltpu.VMEM((q * _K,), jnp.int32),
            pltpu.VMEM((_K,), jnp.int32),
            pltpu.VMEM((_K,), jnp.int32),
            pltpu.VMEM((_K, d), jnp.float32),
            pltpu.VMEM((_K, d), jnp.float32),
            pltpu.VMEM_SHARED((n_pad, d), jnp.float32),
            pltpu.SemaphoreType.DMA,
            pltpu.SemaphoreType.DMA,
            pltpu.SemaphoreType.DMA,
            pltpu.SemaphoreType.DMA,
            pltpu.SemaphoreType.DMA,
            pltpu.SemaphoreType.DMA,
        ],
    )
    def k(m_hbm, ei_hbm, out_hbm,
          srcb, dv0, dv1, rows0, rows1, acc, g0, g1, d0, d1, s0, s1):
        rows = (rows0, rows1)
        dstv = (dv0, dv1)
        gsem = (g0, g1)
        dsem = (d0, d1)
        ssem = (s0, s1)
        c = lax.axis_index("c")
        s = lax.axis_index("s")
        wid = s * _NC + c
        base = wid * q * _K
        pltpu.async_copy(ei_hbm.at[1, pl.ds(base, q * _K)], srcb, g0)
        z16 = jnp.zeros((16,), jnp.float32)

        def zrow(i, carry):
            for j in range(d // 16):
                rows1[i, pl.ds(j * 16, 16)] = z16
            return carry

        lax.fori_loop(0, _K, zrow, 0)
        pltpu.make_async_copy(ei_hbm.at[1, pl.ds(base, q * _K)], srcb,
                              g0).wait()

        def start_fetch(i, b):
            pltpu.async_copy(m_hbm.at[srcb.at[pl.ds(i * _K, _K)]], rows[b],
                             gsem[b])
            pltpu.async_copy(ei_hbm.at[0, pl.ds(base + i * _K, _K)],
                             dstv[b], dsem[b])

        def wait_fetch(b):
            pltpu.make_async_copy(m_hbm.at[srcb.at[pl.ds(0, _K)]], rows[b],
                                  gsem[b]).wait()
            pltpu.make_async_copy(ei_hbm.at[0, pl.ds(base, _K)], dstv[b],
                                  dsem[b]).wait()

        def start_scatter(b):
            pltpu.async_copy(rows[b], acc.at[dstv[b]], ssem[b], add=True)

        def wait_scatter(b):
            pltpu.make_async_copy(rows[b], acc.at[dstv[b]], ssem[b]).wait()

        start_fetch(0, 0)
        for tt in range(zr // _K):
            pltpu.sync_copy(rows1, acc.at[pl.ds(s * zr + tt * _K, _K)])
        if zr % _K:
            pltpu.sync_copy(
                rows1.at[pl.ds(0, zr % _K)],
                acc.at[pl.ds(s * zr + (zr // _K) * _K, zr % _K)])
        plsc.subcore_barrier()
        start_fetch(1, 1)
        wait_fetch(0)
        start_scatter(0)

        def pair(j, carry):
            for b, i_off in ((1, 1), (0, 2)):
                i = 2 * j + i_off
                nb = 1 - b
                wait_scatter(nb)
                start_fetch(i + 1, nb)
                wait_fetch(b)
                start_scatter(b)
            return carry

        lax.fori_loop(0, (q - 2) // 2, pair, 0)
        wait_scatter(0)
        wait_fetch(1)
        start_scatter(1)
        wait_scatter(1)

        for rnd in range((r + _NW - 1) // _NW):
            xc = rnd * _NW + wid

            @pl.when(xc < r)
            def _():
                xbase = (_NW * q + xc) * _K
                pltpu.sync_copy(ei_hbm.at[1, pl.ds(xbase, _K)],
                                srcb.at[pl.ds(0, _K)])
                pltpu.async_copy(ei_hbm.at[0, pl.ds(xbase, _K)], dv0, d0)
                pltpu.async_copy(m_hbm.at[srcb.at[pl.ds(0, _K)]], rows0, g0)
                pltpu.make_async_copy(ei_hbm.at[0, pl.ds(xbase, _K)], dv0,
                                      d0).wait()
                pltpu.make_async_copy(m_hbm.at[srcb.at[pl.ds(0, _K)]], rows0,
                                      g0).wait()
                pltpu.sync_copy(rows0, acc.at[dv0], add=True)

        plsc.subcore_barrier()
        pltpu.sync_copy(
            acc.at[pl.ds(s * zr, zr)],
            out_hbm.at[c, pl.ds(s * zr, zr), :],
        )

    return k(m, ei)


def _mlp_body(x_ref, p0_ref, p1_ref, eps_ref, w1t_ref, g_ref, bt_ref,
              w2t_ref, inv_n_ref, o_ref, h1_scr, st_scr):
    ph = pl.program_id(0)
    i = pl.program_id(1)
    br = x_ref.shape[0]

    @pl.when(ph == 0)
    def _():
        h = x_ref[...] * (1.0 + eps_ref[0, 0]) + p0_ref[0] + p1_ref[0]
        h1 = jnp.dot(h, w1t_ref[...], preferred_element_type=jnp.float32)
        h1_scr[pl.ds(i * br, br), :] = h1
        s = jnp.sum(h1, axis=0, keepdims=True)
        s2 = jnp.sum(h1 * h1, axis=0, keepdims=True)
        blk = jnp.concatenate(
            [s, s2, jnp.zeros((6, s.shape[1]), jnp.float32)], axis=0)

        @pl.when(i == 0)
        def _():
            st_scr[...] = jnp.zeros_like(st_scr)

        st_scr[...] += blk

    @pl.when(ph == 1)
    def _():
        inv_n = inv_n_ref[0, 0]
        st = st_scr[...]
        mean = st[0:1, :] * inv_n
        var = st[1:2, :] * inv_n - mean * mean
        inv = lax.rsqrt(var + 1e-5)
        h1 = h1_scr[pl.ds(i * br, br), :]
        h1n = (h1 - mean) * (inv * g_ref[...]) + bt_ref[...]
        o_ref[...] = jnp.dot(
            jnp.maximum(h1n, 0.0), w2t_ref[...],
            preferred_element_type=jnp.float32)


def _mlp(x, partials, eps2, w1t, g2, bt2, w2t, inv_n, br):
    n, d = x.shape
    grid = (2, n // br)
    row = pl.BlockSpec((br, d), lambda p, i: (i, 0))
    prow0 = pl.BlockSpec((1, br, d), lambda p, i: (0, i, 0))
    prow1 = pl.BlockSpec((1, br, d), lambda p, i: (1, i, 0))
    full = lambda shape: pl.BlockSpec(shape, lambda p, i: (0, 0))
    return pl.pallas_call(
        _mlp_body,
        grid=grid,
        in_specs=[
            row,
            prow0,
            prow1,
            full((1, 1)),
            full((d, d)),
            full((1, d)),
            full((1, d)),
            full((d, d)),
            full((1, 1)),
        ],
        out_specs=row,
        out_shape=jax.ShapeDtypeStruct((n, d), jnp.float32),
        scratch_shapes=[
            pltpu.VMEM((n, d), jnp.float32),
            pltpu.VMEM((8, d), jnp.float32),
        ],
    )(x, partials, partials, eps2, w1t, g2, bt2, w2t, inv_n)


def kernel(x, edge_index, W_lin, b_lin, eps, W1, gamma, beta, W2):
    n, d = x.shape
    e = edge_index.shape[1]
    br = 2000
    assert e % _K == 0 and e // _K >= 2 * _NW
    n_pad = -(-n // 128) * 128

    m = _lin_relu(x, W_lin.T, b_lin.reshape(1, d), br)
    partials = _sc_aggregate(m, edge_index, n, d, n_pad, e)

    inv_n = jnp.full((1, 1), 1.0 / n, jnp.float32)
    out = _mlp(x, partials, eps.reshape(1, 1), W1.T,
               gamma.reshape(1, d), beta.reshape(1, d), W2.T, inv_n, br)
    return out

# --- scband reference (transcript-rebuilt; emitter-appended) ---
"""Pipeline reference for scband-lf-62362925138441 (READ-ONLY COPY).

The authoritative reference and input builder live on the scoring server;
editing this copy changes nothing except your own understanding.
"""

import jax, jax.numpy as jnp
import numpy as np

N = 10000
E = 320000
D = 128

def setup_inputs(seed: int = 0):
    key = jax.random.key(seed)
    ks = jax.random.split(key, 8)
    x = jax.random.normal(ks[0], (N, D), dtype=jnp.float32)
    edge_index = jax.random.randint(ks[1], (2, E), 0, N, dtype=jnp.int32)
    s = 1.0 / np.sqrt(D)
    W_lin = jax.random.uniform(ks[2], (D, D), jnp.float32, -s, s)
    b_lin = jax.random.uniform(ks[3], (D,), jnp.float32, -s, s)
    eps = jnp.zeros((1,), jnp.float32)
    W1 = jax.random.uniform(ks[4], (D, D), jnp.float32, -s, s)
    gamma = jnp.ones((D,), jnp.float32)
    beta = jnp.zeros((D,), jnp.float32)
    W2 = jax.random.uniform(ks[5], (D, D), jnp.float32, -s, s)
    return {"x": x, "edge_index": edge_index, "W_lin": W_lin, "b_lin": b_lin,
            "eps": eps, "W1": W1, "gamma": gamma, "beta": beta, "W2": W2}

def reference(x, edge_index, W_lin, b_lin, eps, W1, gamma, beta, W2):
    # LF forward: agg='e', aggL=['e'], super['e'] is this module itself (self-referential linear),
    # edge_attr_encoder=None so EdgeEmbedding is plain ReLU, gin=True, bn=True.
    dst = edge_index[0]
    src = edge_index[1]
    # f: index_select(self.linear(x), 0, src); sum over aggL (single term)
    xw = x @ W_lin.T + b_lin
    gathered = jnp.take(xw, src, axis=0)
    # EdgeEmbedding with no encoder -> relu(message)
    message = jax.nn.relu(gathered)
    # scatter-add aggregation over destination nodes
    aggregate = jax.ops.segment_sum(message, dst, num_segments=x.shape[0])
    # GIN update
    h = x * (1.0 + eps[0]) + aggregate
    # MLP: Linear(no bias) -> BatchNorm1d (training-mode batch stats) -> ReLU -> Linear(no bias)
    h1 = h @ W1.T
    mean = jnp.mean(h1, axis=0)
    var = jnp.var(h1, axis=0)
    h1n = (h1 - mean) / jnp.sqrt(var + 1e-5) * gamma + beta
    h1a = jax.nn.relu(h1n)
    out = h1a @ W2.T
    return out

if __name__ == "__main__":
    import jax
    _d = setup_inputs()
    print(jax.jit(kernel)(*tuple(_d.values())))

</pallas_src>

<mosaic_0001>
#map = affine_map<(d0, d1) -> (0, 0)>
#map1 = affine_map<(d0, d1) -> (0, 0, 0)>
module attributes {stable_mosaic.version = 14 : i64} {
  func.func @k(%arg0: i32, %arg1: i32, %arg2: memref<10000x128xf32, #tpu.memory_space<hbm>>, %arg3: memref<2x320000xi32, #tpu.memory_space<hbm>>, %arg4: memref<2x10112x128xf32, #tpu.memory_space<hbm>>, %arg5: memref<9984xi32, #tpu.memory_space<vmem>>, %arg6: memref<128xi32, #tpu.memory_space<vmem>>, %arg7: memref<128xi32, #tpu.memory_space<vmem>>, %arg8: memref<128x128xf32, #tpu.memory_space<vmem>>, %arg9: memref<128x128xf32, #tpu.memory_space<vmem>>, %arg10: memref<10112x128xf32, #tpu.memory_space<vmem_shared>>, %arg11: memref<!tpu.dma_semaphore, #tpu.memory_space<semaphore_mem>>, %arg12: memref<!tpu.dma_semaphore, #tpu.memory_space<semaphore_mem>>, %arg13: memref<!tpu.dma_semaphore, #tpu.memory_space<semaphore_mem>>, %arg14: memref<!tpu.dma_semaphore, #tpu.memory_space<semaphore_mem>>, %arg15: memref<!tpu.dma_semaphore, #tpu.memory_space<semaphore_mem>>, %arg16: memref<!tpu.dma_semaphore, #tpu.memory_space<semaphore_mem>>) attributes {dimension_semantics = [#tpu.dimension_semantics<core_parallel>, #tpu.dimension_semantics<subcore_parallel>], iteration_bounds = array<i64: 2, 16>, scalar_prefetch = 0 : i64, scratch_operands = 12 : i64, tpu.core_type = #tpu.core_type<sc_vector_subcore>, window_params = [{transform_indices = #map}, {transform_indices = #map}, {transform_indices = #map1}]} {
    %mul3A = arith.constant 2 : i32
    %mul3A_0 = arith.muli %arg1, %mul3A : i32
    %add3A = arith.addi %mul3A_0, %arg0 : i32
    %mul3A_1 = arith.constant 78 : i32
    %mul3A_2 = arith.muli %add3A, %mul3A_1 : i32
    %mul3A_3 = arith.constant 128 : i32
    %mul3A_4 = arith.muli %mul3A_2, %mul3A_3 : i32
    %dma_start3A = arith.constant 1 : i32
    %dma_start3A_5 = tpu.memref_slice %arg3[%dma_start3A, %mul3A_4] : memref<2x320000xi32, #tpu.memory_space<hbm>> -> memref<1x9984xi32, #tpu.memory_space<hbm>>
    %dma_start3A_6 = tpu.memref_squeeze %dma_start3A_5 : memref<1x9984xi32, #tpu.memory_space<hbm>> -> memref<9984xi32, #tpu.memory_space<hbm>>
    %dma_start3A_7 = tpu.memref_slice %arg3[%dma_start3A, %mul3A_4] : memref<2x320000xi32, #tpu.memory_space<hbm>> -> memref<1x9984xi32, #tpu.memory_space<hbm>>
    %dma_start3A_8 = tpu.memref_squeeze %dma_start3A_7 : memref<1x9984xi32, #tpu.memory_space<hbm>> -> memref<9984xi32, #tpu.memory_space<hbm>>
    tpu.enqueue_dma source(%dma_start3A_8 : memref<9984xi32, #tpu.memory_space<hbm>>) target(%arg5 : memref<9984xi32, #tpu.memory_space<vmem>>) target_semaphore(%arg11 : memref<!tpu.dma_semaphore, #tpu.memory_space<semaphore_mem>>)
    %broadcast_in_dim3A = arith.constant 0.000000e+00 : f32
    %broadcast_in_dim3A_9 = vector.broadcast %broadcast_in_dim3A : f32 to vector<16xf32>
    %scan3A = arith.constant 0 : i32
    %scan3A_10 = arith.constant 0 : i32
    %scan3A_11 = arith.constant 128 : i32
    %scan3A_12 = arith.addi %scan3A_10, %scan3A_11 : i32
    %scan3A_13 = arith.constant 1 : i32
    scf.for %scan3A_110 = %scan3A_10 to %scan3A_12 step %scan3A_13  : i32 {
      %swap3A = arith.index_cast %scan3A_110 : i32 to index
      %swap3A_111 = arith.constant 0 : index
      %swap3A_112 = tpu.vector_load %arg9[%swap3A, %swap3A_111] {strides = array<i32>} : memref<128x128xf32, #tpu.memory_space<vmem>>, vector<1x16xf32>,
      %swap3A_113 = vector.shape_cast %swap3A_112 : vector<1x16xf32> to vector<16xf32>
      %swap3A_114 = vector.shape_cast %broadcast_in_dim3A_9 : vector<16xf32> to vector<1x16xf32>
      tpu.vector_store %arg9[%swap3A, %swap3A_111], %swap3A_114 {strides = array<i32>} : memref<128x128xf32, #tpu.memory_space<vmem>>, vector<1x16xf32>,
      %swap3A_115 = arith.index_cast %scan3A_110 : i32 to index
      %swap3A_116 = arith.constant 16 : index
      %swap3A_117 = tpu.vector_load %arg9[%swap3A_115, %swap3A_116] {strides = array<i32>} : memref<128x128xf32, #tpu.memory_space<vmem>>, vector<1x16xf32>,
      %swap3A_118 = vector.shape_cast %swap3A_117 : vector<1x16xf32> to vector<16xf32>
      %swap3A_119 = vector.shape_cast %broadcast_in_dim3A_9 : vector<16xf32> to vector<1x16xf32>
      tpu.vector_store %arg9[%swap3A_115, %swap3A_116], %swap3A_119 {strides = array<i32>} : memref<128x128xf32, #tpu.memory_space<vmem>>, vector<1x16xf32>,
      %swap3A_120 = arith.index_cast %scan3A_110 : i32 to index
      %swap3A_121 = arith.constant 32 : index
      %swap3A_122 = tpu.vector_load %arg9[%swap3A_120, %swap3A_121] {strides = array<i32>} : memref<128x128xf32, #tpu.memory_space<vmem>>, vector<1x16xf32>,
      %swap3A_123 = vector.shape_cast %swap3A_122 : vector<1x16xf32> to vector<16xf32>
      %swap3A_124 = vector.shape_cast %broadcast_in_dim3A_9 : vector<16xf32> to vector<1x16xf32>
      tpu.vector_store %arg9[%swap3A_120, %swap3A_121], %swap3A_124 {strides = array<i32>} : memref<128x128xf32, #tpu.memory_space<vmem>>, vector<1x16xf32>,
      %swap3A_125 = arith.index_cast %scan3A_110 : i32 to index
      %swap3A_126 = arith.constant 48 : index
      %swap3A_127 = tpu.vector_load %arg9[%swap3A_125, %swap3A_126] {strides = array<i32>} : memref<128x128xf32, #tpu.memory_space<vmem>>, vector<1x16xf32>,
      %swap3A_128 = vector.shape_cast %swap3A_127 : vector<1x16xf32> to vector<16xf32>
      %swap3A_129 = vector.shape_cast %broadcast_in_dim3A_9 : vector<16xf32> to vector<1x16xf32>
      tpu.vector_store %arg9[%swap3A_125, %swap3A_126], %swap3A_129 {strides = array<i32>} : memref<128x128xf32, #tpu.memory_space<vmem>>, vector<1x16xf32>,
      %swap3A_130 = arith.index_cast %scan3A_110 : i32 to index
      %swap3A_131 = arith.constant 64 : index
      %swap3A_132 = tpu.vector_load %arg9[%swap3A_130, %swap3A_131] {strides = array<i32>} : memref<128x128xf32, #tpu.memory_space<vmem>>, vector<1x16xf32>,
      %swap3A_133 = vector.shape_cast %swap3A_132 : vector<1x16xf32> to vector<16xf32>
      %swap3A_134 = vector.shape_cast %broadcast_in_dim3A_9 : vector<16xf32> to vector<1x16xf32>
      tpu.vector_store %arg9[%swap3A_130, %swap3A_131], %swap3A_134 {strides = array<i32>} : memref<128x128xf32, #tpu.memory_space<vmem>>, vector<1x16xf32>,
      %swap3A_135 = arith.index_cast %scan3A_110 : i32 to index
      %swap3A_136 = arith.constant 80 : index
      %swap3A_137 = tpu.vector_load %arg9[%swap3A_135, %swap3A_136] {strides = array<i32>} : memref<128x128xf32, #tpu.memory_space<vmem>>, vector<1x16xf32>,
      %swap3A_138 = vector.shape_cast %swap3A_137 : vector<1x16xf32> to vector<16xf32>
      %swap3A_139 = vector.shape_cast %broadcast_in_dim3A_9 : vector<16xf32> to vector<1x16xf32>
      tpu.vector_store %arg9[%swap3A_135, %swap3A_136], %swap3A_139 {strides = array<i32>} : memref<128x128xf32, #tpu.memory_space<vmem>>, vector<1x16xf32>,
      %swap3A_140 = arith.index_cast %scan3A_110 : i32 to index
      %swap3A_141 = arith.constant 96 : index
      %swap3A_142 = tpu.vector_load %arg9[%swap3A_140, %swap3A_141] {strides = array<i32>} : memref<128x128xf32, #tpu.memory_space<vmem>>, vector<1x16xf32>,
      %swap3A_143 = vector.shape_cast %swap3A_142 : vector<1x16xf32> to vector<16xf32>
      %swap3A_144 = vector.shape_cast %broadcast_in_dim3A_9 : vector<16xf32> to vector<1x16xf32>
      tpu.vector_store %arg9[%swap3A_140, %swap3A_141], %swap3A_144 {strides = array<i32>} : memref<128x128xf32, #tpu.memory_space<vmem>>, vector<1x16xf32>,
      %swap3A_145 = arith.index_cast %scan3A_110 : i32 to index
      %swap3A_146 = arith.constant 112 : index
      %swap3A_147 = tpu.vector_load %arg9[%swap3A_145, %swap3A_146] {strides = array<i32>} : memref<128x128xf32, #tpu.memory_space<vmem>>, vector<1x16xf32>,
      %swap3A_148 = vector.shape_cast %swap3A_147 : vector<1x16xf32> to vector<16xf32>
      %swap3A_149 = vector.shape_cast %broadcast_in_dim3A_9 : vector<16xf32> to vector<1x16xf32>
      tpu.vector_store %arg9[%swap3A_145, %swap3A_146], %swap3A_149 {strides = array<i32>} : memref<128x128xf32, #tpu.memory_space<vmem>>, vector<1x16xf32>,
    }
    %scan3A_14 = arith.constant 128 : i32
    %dma_wait3A = arith.constant 1 : i32
    %dma_wait3A_15 = tpu.memref_slice %arg3[%dma_wait3A, %mul3A_4] : memref<2x320000xi32, #tpu.memory_space<hbm>> -> memref<1x9984xi32, #tpu.memory_space<hbm>>
    %dma_wait3A_16 = tpu.memref_squeeze %dma_wait3A_15 : memref<1x9984xi32, #tpu.memory_space<hbm>> -> memref<9984xi32, #tpu.memory_space<hbm>>
    %dma_wait3A_17 = tpu.memref_slice %arg3[%dma_wait3A, %mul3A_4] : memref<2x320000xi32, #tpu.memory_space<hbm>> -> memref<1x9984xi32, #tpu.memory_space<hbm>>
    %dma_wait3A_18 = tpu.memref_squeeze %dma_wait3A_17 : memref<1x9984xi32, #tpu.memory_space<hbm>> -> memref<9984xi32, #tpu.memory_space<hbm>>
    tpu.wait_dma2 semaphore(%arg11 : memref<!tpu.dma_semaphore, #tpu.memory_space<semaphore_mem>>) src(%dma_wait3A_18 : memref<9984xi32, #tpu.memory_space<hbm>>) dst(%arg5 : memref<9984xi32, #tpu.memory_space<vmem>>)
    %dma_start3A_19 = arith.constant 0 : i32
    %dma_start3A_20 = tpu.memref_slice %arg5[%dma_start3A_19] : memref<9984xi32, #tpu.memory_space<vmem>> -> memref<128xi32, #tpu.memory_space<vmem>>
    %dma_start3A_21 = arith.constant 0 : i32
    %dma_start3A_22 = arith.constant 0 : i32
    %dma_start3A_23 = tpu.memref_slice %arg2[%dma_start3A_21, %dma_start3A_22] : memref<10000x128xf32, #tpu.memory_space<hbm>> -> memref<10000x128xf32, #tpu.memory_space<hbm>>
    tpu.enqueue_indirect_dma source(%dma_start3A_23 : memref<10000x128xf32, #tpu.memory_space<hbm>>) target(%arg8 : memref<128x128xf32, #tpu.memory_space<vmem>>) offsets(%dma_start3A_20 : memref<128xi32, #tpu.memory_space<vmem>>) semaphore(%arg11 : memref<!tpu.dma_semaphore, #tpu.memory_space<semaphore_mem>>)
    %add3A_24 = arith.constant 0 : i32
    %add3A_25 = arith.addi %mul3A_4, %add3A_24 : i32
    %dma_start3A_26 = arith.constant 0 : i32
    %dma_start3A_27 = tpu.memref_slice %arg3[%dma_start3A_26, %add3A_25] : memref<2x320000xi32, #tpu.memory_space<hbm>> -> memref<1x128xi32, #tpu.memory_space<hbm>>
    %dma_start3A_28 = tpu.memref_squeeze %dma_start3A_27 : memref<1x128xi32, #tpu.memory_space<hbm>> -> memref<128xi32, #tpu.memory_space<hbm>>
    %dma_start3A_29 = tpu.memref_slice %arg3[%dma_start3A_26, %add3A_25] : memref<2x320000xi32, #tpu.memory_space<hbm>> -> memref<1x128xi32, #tpu.memory_space<hbm>>
    %dma_start3A_30 = tpu.memref_squeeze %dma_start3A_29 : memref<1x128xi32, #tpu.memory_space<hbm>> -> memref<128xi32, #tpu.memory_space<hbm>>
    tpu.enqueue_dma source(%dma_start3A_30 : memref<128xi32, #tpu.memory_space<hbm>>) target(%arg6 : memref<128xi32, #tpu.memory_space<vmem>>) target_semaphore(%arg13 : memref<!tpu.dma_semaphore, #tpu.memory_space<semaphore_mem>>)
    %mul3A_31 = arith.constant 632 : i32
    %mul3A_32 = arith.muli %arg1, %mul3A_31 : i32
    %add3A_33 = arith.constant 0 : i32
    %add3A_34 = arith.addi %mul3A_32, %add3A_33 : i32
    "tpu.region"() ({
      %run_scoped3A = tpu.sem_alloc : memref<!tpu.dma_semaphore, #tpu.memory_space<semaphore_mem>>
      %dma_start3A_110 = arith.constant 0 : i32
      %dma_start3A_111 = tpu.memref_slice %arg10[%add3A_34, %dma_start3A_110] : memref<10112x128xf32, #tpu.memory_space<vmem_shared>> -> memref<128x128xf32, #tpu.memory_space<vmem_shared>>
      %dma_start3A_112 = arith.constant 0 : i32
      %dma_start3A_113 = tpu.memref_slice %arg10[%add3A_34, %dma_start3A_112] : memref<10112x128xf32, #tpu.memory_space<vmem_shared>> -> memref<128x128xf32, #tpu.memory_space<vmem_shared>>
      tpu.enqueue_dma source(%arg9 : memref<128x128xf32, #tpu.memory_space<vmem>>) target(%dma_start3A_113 : memref<128x128xf32, #tpu.memory_space<vmem_shared>>) target_semaphore(%run_scoped3A : memref<!tpu.dma_semaphore, #tpu.memory_space<semaphore_mem>>)
      %dma_wait3A_114 = arith.constant 0 : i32
      %dma_wait3A_115 = tpu.memref_slice %arg10[%add3A_34, %dma_wait3A_114] : memref<10112x128xf32, #tpu.memory_space<vmem_shared>> -> memref<128x128xf32, #tpu.memory_space<vmem_shared>>
      %dma_wait3A_116 = arith.constant 0 : i32
      %dma_wait3A_117 = tpu.memref_slice %arg10[%add3A_34, %dma_wait3A_116] : memref<10112x128xf32, #tpu.memory_space<vmem_shared>> -> memref<128x128xf32, #tpu.memory_space<vmem_shared>>
      tpu.wait_dma2 semaphore(%run_scoped3A : memref<!tpu.dma_semaphore, #tpu.memory_space<semaphore_mem>>) src(%arg9 : memref<128x128xf32, #tpu.memory_space<vmem>>) dst(%dma_wait3A_117 : memref<128x128xf32, #tpu.memory_space<vmem_shared>>)
      tpu.yield
    }) : () -> ()
    %mul3A_35 = arith.constant 632 : i32
    %mul3A_36 = arith.muli %arg1, %mul3A_35 : i32
    %add3A_37 = arith.constant 128 : i32
    %add3A_38 = arith.addi %mul3A_36, %add3A_37 : i32
    "tpu.region"() ({
      %run_scoped3A = tpu.sem_alloc : memref<!tpu.dma_semaphore, #tpu.memory_space<semaphore_mem>>
      %dma_start3A_110 = arith.constant 0 : i32
      %dma_start3A_111 = tpu.memref_slice %arg10[%add3A_38, %dma_start3A_110] : memref<10112x128xf32, #tpu.memory_space<vmem_shared>> -> memref<128x128xf32, #tpu.memory_space<vmem_shared>>
      %dma_start3A_112 = arith.constant 0 : i32
      %dma_start3A_113 = tpu.memref_slice %arg10[%add3A_38, %dma_start3A_112] : memref<10112x128xf32, #tpu.memory_space<vmem_shared>> -> memref<128x128xf32, #tpu.memory_space<vmem_shared>>
      tpu.enqueue_dma source(%arg9 : memref<128x128xf32, #tpu.memory_space<vmem>>) target(%dma_start3A_113 : memref<128x128xf32, #tpu.memory_space<vmem_shared>>) target_semaphore(%run_scoped3A : memref<!tpu.dma_semaphore, #tpu.memory_space<semaphore_mem>>)
      %dma_wait3A_114 = arith.constant 0 : i32
      %dma_wait3A_115 = tpu.memref_slice %arg10[%add3A_38, %dma_wait3A_114] : memref<10112x128xf32, #tpu.memory_space<vmem_shared>> -> memref<128x128xf32, #tpu.memory_space<vmem_shared>>
      %dma_wait3A_116 = arith.constant 0 : i32
      %dma_wait3A_117 = tpu.memref_slice %arg10[%add3A_38, %dma_wait3A_116] : memref<10112x128xf32, #tpu.memory_space<vmem_shared>> -> memref<128x128xf32, #tpu.memory_space<vmem_shared>>
      tpu.wait_dma2 semaphore(%run_scoped3A : memref<!tpu.dma_semaphore, #tpu.memory_space<semaphore_mem>>) src(%arg9 : memref<128x128xf32, #tpu.memory_space<vmem>>) dst(%dma_wait3A_117 : memref<128x128xf32, #tpu.memory_space<vmem_shared>>)
      tpu.yield
    }) : () -> ()
    %mul3A_39 = arith.constant 632 : i32
    %mul3A_40 = arith.muli %arg1, %mul3A_39 : i32
    %add3A_41 = arith.constant 256 : i32
    %add3A_42 = arith.addi %mul3A_40, %add3A_41 : i32
    "tpu.region"() ({
      %run_scoped3A = tpu.sem_alloc : memref<!tpu.dma_semaphore, #tpu.memory_space<semaphore_mem>>
      %dma_start3A_110 = arith.constant 0 : i32
      %dma_start3A_111 = tpu.memref_slice %arg10[%add3A_42, %dma_start3A_110] : memref<10112x128xf32, #tpu.memory_space<vmem_shared>> -> memref<128x128xf32, #tpu.memory_space<vmem_shared>>
      %dma_start3A_112 = arith.constant 0 : i32
      %dma_start3A_113 = tpu.memref_slice %arg10[%add3A_42, %dma_start3A_112] : memref<10112x128xf32, #tpu.memory_space<vmem_shared>> -> memref<128x128xf32, #tpu.memory_space<vmem_shared>>
      tpu.enqueue_dma source(%arg9 : memref<128x128xf32, #tpu.memory_space<vmem>>) target(%dma_start3A_113 : memref<128x128xf32, #tpu.memory_space<vmem_shared>>) target_semaphore(%run_scoped3A : memref<!tpu.dma_semaphore, #tpu.memory_space<semaphore_mem>>)
      %dma_wait3A_114 = arith.constant 0 : i32
      %dma_wait3A_115 = tpu.memref_slice %arg10[%add3A_42, %dma_wait3A_114] : memref<10112x128xf32, #tpu.memory_space<vmem_shared>> -> memref<128x128xf32, #tpu.memory_space<vmem_shared>>
      %dma_wait3A_116 = arith.constant 0 : i32
      %dma_wait3A_117 = tpu.memref_slice %arg10[%add3A_42, %dma_wait3A_116] : memref<10112x128xf32, #tpu.memory_space<vmem_shared>> -> memref<128x128xf32, #tpu.memory_space<vmem_shared>>
      tpu.wait_dma2 semaphore(%run_scoped3A : memref<!tpu.dma_semaphore, #tpu.memory_space<semaphore_mem>>) src(%arg9 : memref<128x128xf32, #tpu.memory_space<vmem>>) dst(%dma_wait3A_117 : memref<128x128xf32, #tpu.memory_space<vmem_shared>>)
      tpu.yield
    }) : () -> ()
    %mul3A_43 = arith.constant 632 : i32
    %mul3A_44 = arith.muli %arg1, %mul3A_43 : i32
    %add3A_45 = arith.constant 384 : i32
    %add3A_46 = arith.addi %mul3A_44, %add3A_45 : i32
    "tpu.region"() ({
      %run_scoped3A = tpu.sem_alloc : memref<!tpu.dma_semaphore, #tpu.memory_space<semaphore_mem>>
      %dma_start3A_110 = arith.constant 0 : i32
      %dma_start3A_111 = tpu.memref_slice %arg10[%add3A_46, %dma_start3A_110] : memref<10112x128xf32, #tpu.memory_space<vmem_shared>> -> memref<128x128xf32, #tpu.memory_space<vmem_shared>>
      %dma_start3A_112 = arith.constant 0 : i32
      %dma_start3A_113 = tpu.memref_slice %arg10[%add3A_46, %dma_start3A_112] : memref<10112x128xf32, #tpu.memory_space<vmem_shared>> -> memref<128x128xf32, #tpu.memory_space<vmem_shared>>
      tpu.enqueue_dma source(%arg9 : memref<128x128xf32, #tpu.memory_space<vmem>>) target(%dma_start3A_113 : memref<128x128xf32, #tpu.memory_space<vmem_shared>>) target_semaphore(%run_scoped3A : memref<!tpu.dma_semaphore, #tpu.memory_space<semaphore_mem>>)
      %dma_wait3A_114 = arith.constant 0 : i32
      %dma_wait3A_115 = tpu.memref_slice %arg10[%add3A_46, %dma_wait3A_114] : memref<10112x128xf32, #tpu.memory_space<vmem_shared>> -> memref<128x128xf32, #tpu.memory_space<vmem_shared>>
      %dma_wait3A_116 = arith.constant 0 : i32
      %dma_wait3A_117 = tpu.memref_slice %arg10[%add3A_46, %dma_wait3A_116] : memref<10112x128xf32, #tpu.memory_space<vmem_shared>> -> memref<128x128xf32, #tpu.memory_space<vmem_shared>>
      tpu.wait_dma2 semaphore(%run_scoped3A : memref<!tpu.dma_semaphore, #tpu.memory_space<semaphore_mem>>) src(%arg9 : memref<128x128xf32, #tpu.memory_space<vmem>>) dst(%dma_wait3A_117 : memref<128x128xf32, #tpu.memory_space<vmem_shared>>)
      tpu.yield
    }) : () -> ()
    %mul3A_47 = arith.constant 632 : i32
    %mul3A_48 = arith.muli %arg1, %mul3A_47 : i32
    %add3A_49 = arith.constant 512 : i32
    %add3A_50 = arith.addi %mul3A_48, %add3A_49 : i32
    "tpu.region"() ({
      %run_scoped3A = tpu.sem_alloc : memref<!tpu.dma_semaphore, #tpu.memory_space<semaphore_mem>>
      %dma_start3A_110 = arith.constant 0 : i32
      %dma_start3A_111 = arith.constant 0 : i32
      %dma_start3A_112 = tpu.memref_slice %arg9[%dma_start3A_110, %dma_start3A_111] : memref<128x128xf32, #tpu.memory_space<vmem>> -> memref<120x128xf32, #tpu.memory_space<vmem>>
      %dma_start3A_113 = arith.constant 0 : i32
      %dma_start3A_114 = tpu.memref_slice %arg10[%add3A_50, %dma_start3A_113] : memref<10112x128xf32, #tpu.memory_space<vmem_shared>> -> memref<120x128xf32, #tpu.memory_space<vmem_shared>>
      %dma_start3A_115 = arith.constant 0 : i32
      %dma_start3A_116 = tpu.memref_slice %arg10[%add3A_50, %dma_start3A_115] : memref<10112x128xf32, #tpu.memory_space<vmem_shared>> -> memref<120x128xf32, #tpu.memory_space<vmem_shared>>
      %dma_start3A_117 = arith.constant 0 : i32
      %dma_start3A_118 = arith.constant 0 : i32
      %dma_start3A_119 = tpu.memref_slice %arg9[%dma_start3A_117, %dma_start3A_118] : memref<128x128xf32, #tpu.memory_space<vmem>> -> memref<120x128xf32, #tpu.memory_space<vmem>>
      tpu.enqueue_dma source(%dma_start3A_119 : memref<120x128xf32, #tpu.memory_space<vmem>>) target(%dma_start3A_116 : memref<120x128xf32, #tpu.memory_space<vmem_shared>>) target_semaphore(%run_scoped3A : memref<!tpu.dma_semaphore, #tpu.memory_space<semaphore_mem>>)
      %dma_wait3A_120 = arith.constant 0 : i32
      %dma_wait3A_121 = arith.constant 0 : i32
      %dma_wait3A_122 = tpu.memref_slice %arg9[%dma_wait3A_120, %dma_wait3A_121] : memref<128x128xf32, #tpu.memory_space<vmem>> -> memref<120x128xf32, #tpu.memory_space<vmem>>
      %dma_wait3A_123 = arith.constant 0 : i32
      %dma_wait3A_124 = tpu.memref_slice %arg10[%add3A_50, %dma_wait3A_123] : memref<10112x128xf32, #tpu.memory_space<vmem_shared>> -> memref<120x128xf32, #tpu.memory_space<vmem_shared>>
      %dma_wait3A_125 = arith.constant 0 : i32
      %dma_wait3A_126 = tpu.memref_slice %arg10[%add3A_50, %dma_wait3A_125] : memref<10112x128xf32, #tpu.memory_space<vmem_shared>> -> memref<120x128xf32, #tpu.memory_space<vmem_shared>>
      %dma_wait3A_127 = arith.constant 0 : i32
      %dma_wait3A_128 = arith.constant 0 : i32
      %dma_wait3A_129 = tpu.memref_slice %arg9[%dma_wait3A_127, %dma_wait3A_128] : memref<128x128xf32, #tpu.memory_space<vmem>> -> memref<120x128xf32, #tpu.memory_space<vmem>>
      tpu.wait_dma2 semaphore(%run_scoped3A : memref<!tpu.dma_semaphore, #tpu.memory_space<semaphore_mem>>) src(%dma_wait3A_129 : memref<120x128xf32, #tpu.memory_space<vmem>>) dst(%dma_wait3A_126 : memref<120x128xf32, #tpu.memory_space<vmem_shared>>)
      tpu.yield
    }) : () -> ()
    %barrier3A = arith.constant 0 : index
    tpu.barrier barrier_id(%barrier3A)
    %dma_start3A_51 = arith.constant 128 : i32
    %dma_start3A_52 = tpu.memref_slice %arg5[%dma_start3A_51] : memref<9984xi32, #tpu.memory_space<vmem>> -> memref<128xi32, #tpu.memory_space<vmem>>
    %dma_start3A_53 = arith.constant 0 : i32
    %dma_start3A_54 = arith.constant 0 : i32
    %dma_start3A_55 = tpu.memref_slice %arg2[%dma_start3A_53, %dma_start3A_54] : memref<10000x128xf32, #tpu.memory_space<hbm>> -> memref<10000x128xf32, #tpu.memory_space<hbm>>
    tpu.enqueue_indirect_dma source(%dma_start3A_55 : memref<10000x128xf32, #tpu.memory_space<hbm>>) target(%arg9 : memref<128x128xf32, #tpu.memory_space<vmem>>) offsets(%dma_start3A_52 : memref<128xi32, #tpu.memory_space<vmem>>) semaphore(%arg12 : memref<!tpu.dma_semaphore, #tpu.memory_space<semaphore_mem>>)
    %add3A_56 = arith.constant 128 : i32
    %add3A_57 = arith.addi %mul3A_4, %add3A_56 : i32
    %dma_start3A_58 = arith.constant 0 : i32
    %dma_start3A_59 = tpu.memref_slice %arg3[%dma_start3A_58, %add3A_57] : memref<2x320000xi32, #tpu.memory_space<hbm>> -> memref<1x128xi32, #tpu.memory_space<hbm>>
    %dma_start3A_60 = tpu.memref_squeeze %dma_start3A_59 : memref<1x128xi32, #tpu.memory_space<hbm>> -> memref<128xi32, #tpu.memory_space<hbm>>
    %dma_start3A_61 = tpu.memref_slice %arg3[%dma_start3A_58, %add3A_57] : memref<2x320000xi32, #tpu.memory_space<hbm>> -> memref<1x128xi32, #tpu.memory_space<hbm>>
    %dma_start3A_62 = tpu.memref_squeeze %dma_start3A_61 : memref<1x128xi32, #tpu.memory_space<hbm>> -> memref<128xi32, #tpu.memory_space<hbm>>
    tpu.enqueue_dma source(%dma_start3A_62 : memref<128xi32, #tpu.memory_space<hbm>>) target(%arg7 : memref<128xi32, #tpu.memory_space<vmem>>) target_semaphore(%arg14 : memref<!tpu.dma_semaphore, #tpu.memory_space<semaphore_mem>>)
    %dma_wait3A_63 = arith.constant 0 : i32
    %dma_wait3A_64 = tpu.memref_slice %arg5[%dma_wait3A_63] : memref<9984xi32, #tpu.memory_space<vmem>> -> memref<128xi32, #tpu.memory_space<vmem>>
    %dma_wait3A_65 = arith.constant 0 : i32
    %dma_wait3A_66 = arith.constant 0 : i32
    %dma_wait3A_67 = tpu.memref_slice %arg2[%dma_wait3A_65, %dma_wait3A_66] : memref<10000x128xf32, #tpu.memory_space<hbm>> -> memref<10000x128xf32, #tpu.memory_space<hbm>>
    tpu.wait_indirect_dma semaphore(%arg11 : memref<!tpu.dma_semaphore, #tpu.memory_space<semaphore_mem>>) src(%dma_wait3A_67 : memref<10000x128xf32, #tpu.memory_space<hbm>>) dst(%arg8 : memref<128x128xf32, #tpu.memory_space<vmem>>)
    %dma_wait3A_68 = arith.constant 0 : i32
    %dma_wait3A_69 = tpu.memref_slice %arg3[%dma_wait3A_68, %mul3A_4] : memref<2x320000xi32, #tpu.memory_space<hbm>> -> memref<1x128xi32, #tpu.memory_space<hbm>>
    %dma_wait3A_70 = tpu.memref_squeeze %dma_wait3A_69 : memref<1x128xi32, #tpu.memory_space<hbm>> -> memref<128xi32, #tpu.memory_space<hbm>>
    %dma_wait3A_71 = tpu.memref_slice %arg3[%dma_wait3A_68, %mul3A_4] : memref<2x320000xi32, #tpu.memory_space<hbm>> -> memref<1x128xi32, #tpu.memory_space<hbm>>
    %dma_wait3A_72 = tpu.memref_squeeze %dma_wait3A_71 : memref<1x128xi32, #tpu.memory_space<hbm>> -> memref<128xi32, #tpu.memory_space<hbm>>
    tpu.wait_dma2 semaphore(%arg13 : memref<!tpu.dma_semaphore, #tpu.memory_space<semaphore_mem>>) src(%dma_wait3A_72 : memref<128xi32, #tpu.memory_space<hbm>>) dst(%arg6 : memref<128xi32, #tpu.memory_space<vmem>>)
    %dma_start3A_73 = arith.constant 0 : i32
    %dma_start3A_74 = arith.constant 0 : i32
    %dma_start3A_75 = tpu.memref_slice %arg10[%dma_start3A_73, %dma_start3A_74] : memref<10112x128xf32, #tpu.memory_space<vmem_shared>> -> memref<10112x128xf32, #tpu.memory_space<vmem_shared>>
    tpu.enqueue_indirect_dma source(%arg8 : memref<128x128xf32, #tpu.memory_space<vmem>>) target(%dma_start3A_75 : memref<10112x128xf32, #tpu.memory_space<vmem_shared>>) offsets(%arg6 : memref<128xi32, #tpu.memory_space<vmem>>) semaphore(%arg15 : memref<!tpu.dma_semaphore, #tpu.memory_space<semaphore_mem>>) {add = true}
    %scan3A_76 = arith.constant 0 : i32
    %scan3A_77 = arith.constant 0 : i32
    %scan3A_78 = arith.constant 38 : i32
    %scan3A_79 = arith.addi %scan3A_77, %scan3A_78 : i32
    %scan3A_80 = arith.constant 1 : i32
    scf.for %scan3A_110 = %scan3A_77 to %scan3A_79 step %scan3A_80  : i32 {
      %mul3A_111 = arith.constant 2 : i32
      %mul3A_112 = arith.muli %mul3A_111, %scan3A_110 : i32
      %add3A_113 = arith.constant 1 : i32
      %add3A_114 = arith.addi %mul3A_112, %add3A_113 : i32
      %dma_wait3A_115 = arith.constant 0 : i32
      %dma_wait3A_116 = arith.constant 0 : i32
      %dma_wait3A_117 = tpu.memref_slice %arg10[%dma_wait3A_115, %dma_wait3A_116] : memref<10112x128xf32, #tpu.memory_space<vmem_shared>> -> memref<10112x128xf32, #tpu.memory_space<vmem_shared>>
      tpu.wait_indirect_dma semaphore(%arg15 : memref<!tpu.dma_semaphore, #tpu.memory_space<semaphore_mem>>) src(%arg8 : memref<128x128xf32, #tpu.memory_space<vmem>>) dst(%dma_wait3A_117 : memref<10112x128xf32, #tpu.memory_space<vmem_shared>>)
      %add3A_118 = arith.constant 1 : i32
      %add3A_119 = arith.addi %add3A_114, %add3A_118 : i32
      %mul3A_120 = arith.constant 128 : i32
      %mul3A_121 = arith.muli %add3A_119, %mul3A_120 : i32
      %dma_start3A_122 = tpu.memref_slice %arg5[%mul3A_121] : memref<9984xi32, #tpu.memory_space<vmem>> -> memref<128xi32, #tpu.memory_space<vmem>>
      %dma_start3A_123 = arith.constant 0 : i32
      %dma_start3A_124 = arith.constant 0 : i32
      %dma_start3A_125 = tpu.memref_slice %arg2[%dma_start3A_123, %dma_start3A_124] : memref<10000x128xf32, #tpu.memory_space<hbm>> -> memref<10000x128xf32, #tpu.memory_space<hbm>>
      tpu.enqueue_indirect_dma source(%dma_start3A_125 : memref<10000x128xf32, #tpu.memory_space<hbm>>) target(%arg8 : memref<128x128xf32, #tpu.memory_space<vmem>>) offsets(%dma_start3A_122 : memref<128xi32, #tpu.memory_space<vmem>>) semaphore(%arg11 : memref<!tpu.dma_semaphore, #tpu.memory_space<semaphore_mem>>)
      %mul3A_126 = arith.constant 128 : i32
      %mul3A_127 = arith.muli %add3A_119, %mul3A_126 : i32
      %add3A_128 = arith.addi %mul3A_4, %mul3A_127 : i32
      %dma_start3A_129 = arith.constant 0 : i32
      %dma_start3A_130 = tpu.memref_slice %arg3[%dma_start3A_129, %add3A_128] : memref<2x320000xi32, #tpu.memory_space<hbm>> -> memref<1x128xi32, #tpu.memory_space<hbm>>
      %dma_start3A_131 = tpu.memref_squeeze %dma_start3A_130 : memref<1x128xi32, #tpu.memory_space<hbm>> -> memref<128xi32, #tpu.memory_space<hbm>>
      %dma_start3A_132 = tpu.memref_slice %arg3[%dma_start3A_129, %add3A_128] : memref<2x320000xi32, #tpu.memory_space<hbm>> -> memref<1x128xi32, #tpu.memory_space<hbm>>
      %dma_start3A_133 = tpu.memref_squeeze %dma_start3A_132 : memref<1x128xi32, #tpu.memory_space<hbm>> -> memref<128xi32, #tpu.memory_space<hbm>>
      tpu.enqueue_dma source(%dma_start3A_133 : memref<128xi32, #tpu.memory_space<hbm>>) target(%arg6 : memref<128xi32, #tpu.memory_space<vmem>>) target_semaphore(%arg13 : memref<!tpu.dma_semaphore, #tpu.memory_space<semaphore_mem>>)
      %dma_wait3A_134 = arith.constant 0 : i32
      %dma_wait3A_135 = tpu.memref_slice %arg5[%dma_wait3A_134] : memref<9984xi32, #tpu.memory_space<vmem>> -> memref<128xi32, #tpu.memory_space<vmem>>
      %dma_wait3A_136 = arith.constant 0 : i32
      %dma_wait3A_137 = arith.constant 0 : i32
      %dma_wait3A_138 = tpu.memref_slice %arg2[%dma_wait3A_136, %dma_wait3A_137] : memref<10000x128xf32, #tpu.memory_space<hbm>> -> memref<10000x128xf32, #tpu.memory_space<hbm>>
      tpu.wait_indirect_dma semaphore(%arg12 : memref<!tpu.dma_semaphore, #tpu.memory_space<semaphore_mem>>) src(%dma_wait3A_138 : memref<10000x128xf32, #tpu.memory_space<hbm>>) dst(%arg9 : memref<128x128xf32, #tpu.memory_space<vmem>>)
      %dma_wait3A_139 = arith.constant 0 : i32
      %dma_wait3A_140 = tpu.memref_slice %arg3[%dma_wait3A_139, %mul3A_4] : memref<2x320000xi32, #tpu.memory_space<hbm>> -> memref<1x128xi32, #tpu.memory_space<hbm>>
      %dma_wait3A_141 = tpu.memref_squeeze %dma_wait3A_140 : memref<1x128xi32, #tpu.memory_space<hbm>> -> memref<128xi32, #tpu.memory_space<hbm>>
      %dma_wait3A_142 = tpu.memref_slice %arg3[%dma_wait3A_139, %mul3A_4] : memref<2x320000xi32, #tpu.memory_space<hbm>> -> memref<1x128xi32, #tpu.memory_space<hbm>>
      %dma_wait3A_143 = tpu.memref_squeeze %dma_wait3A_142 : memref<1x128xi32, #tpu.memory_space<hbm>> -> memref<128xi32, #tpu.memory_space<hbm>>
      tpu.wait_dma2 semaphore(%arg14 : memref<!tpu.dma_semaphore, #tpu.memory_space<semaphore_mem>>) src(%dma_wait3A_143 : memref<128xi32, #tpu.memory_space<hbm>>) dst(%arg7 : memref<128xi32, #tpu.memory_space<vmem>>)
      %dma_start3A_144 = arith.constant 0 : i32
      %dma_start3A_145 = arith.constant 0 : i32
      %dma_start3A_146 = tpu.memref_slice %arg10[%dma_start3A_144, %dma_start3A_145] : memref<10112x128xf32, #tpu.memory_space<vmem_shared>> -> memref<10112x128xf32, #tpu.memory_space<vmem_shared>>
      tpu.enqueue_indirect_dma source(%arg9 : memref<128x128xf32, #tpu.memory_space<vmem>>) target(%dma_start3A_146 : memref<10112x128xf32, #tpu.memory_space<vmem_shared>>) offsets(%arg7 : memref<128xi32, #tpu.memory_space<vmem>>) semaphore(%arg16 : memref<!tpu.dma_semaphore, #tpu.memory_space<semaphore_mem>>) {add = true}
      %mul3A_147 = arith.constant 2 : i32
      %mul3A_148 = arith.muli %mul3A_147, %scan3A_110 : i32
      %add3A_149 = arith.constant 2 : i32
      %add3A_150 = arith.addi %mul3A_148, %add3A_149 : i32
      %dma_wait3A_151 = arith.constant 0 : i32
      %dma_wait3A_152 = arith.constant 0 : i32
      %dma_wait3A_153 = tpu.memref_slice %arg10[%dma_wait3A_151, %dma_wait3A_152] : memref<10112x128xf32, #tpu.memory_space<vmem_shared>> -> memref<10112x128xf32, #tpu.memory_space<vmem_shared>>
      tpu.wait_indirect_dma semaphore(%arg16 : memref<!tpu.dma_semaphore, #tpu.memory_space<semaphore_mem>>) src(%arg9 : memref<128x128xf32, #tpu.memory_space<vmem>>) dst(%dma_wait3A_153 : memref<10112x128xf32, #tpu.memory_space<vmem_shared>>)
      %add3A_154 = arith.constant 1 : i32
      %add3A_155 = arith.addi %add3A_150, %add3A_154 : i32
      %mul3A_156 = arith.constant 128 : i32
      %mul3A_157 = arith.muli %add3A_155, %mul3A_156 : i32
      %dma_start3A_158 = tpu.memref_slice %arg5[%mul3A_157] : memref<9984xi32, #tpu.memory_space<vmem>> -> memref<128xi32, #tpu.memory_space<vmem>>
      %dma_start3A_159 = arith.constant 0 : i32
      %dma_start3A_160 = arith.constant 0 : i32
      %dma_start3A_161 = tpu.memref_slice %arg2[%dma_start3A_159, %dma_start3A_160] : memref<10000x128xf32, #tpu.memory_space<hbm>> -> memref<10000x128xf32, #tpu.memory_space<hbm>>
      tpu.enqueue_indirect_dma source(%dma_start3A_161 : memref<10000x128xf32, #tpu.memory_space<hbm>>) target(%arg9 : memref<128x128xf32, #tpu.memory_space<vmem>>) offsets(%dma_start3A_158 : memref<128xi32, #tpu.memory_space<vmem>>) semaphore(%arg12 : memref<!tpu.dma_semaphore, #tpu.memory_space<semaphore_mem>>)
      %mul3A_162 = arith.constant 128 : i32
      %mul3A_163 = arith.muli %add3A_155, %mul3A_162 : i32
      %add3A_164 = arith.addi %mul3A_4, %mul3A_163 : i32
      %dma_start3A_165 = arith.constant 0 : i32
      %dma_start3A_166 = tpu.memref_slice %arg3[%dma_start3A_165, %add3A_164] : memref<2x320000xi32, #tpu.memory_space<hbm>> -> memref<1x128xi32, #tpu.memory_space<hbm>>
      %dma_start3A_167 = tpu.memref_squeeze %dma_start3A_166 : memref<1x128xi32, #tpu.memory_space<hbm>> -> memref<128xi32, #tpu.memory_space<hbm>>
      %dma_start3A_168 = tpu.memref_slice %arg3[%dma_start3A_165, %add3A_164] : memref<2x320000xi32, #tpu.memory_space<hbm>> -> memref<1x128xi32, #tpu.memory_space<hbm>>
      %dma_start3A_169 = tpu.memref_squeeze %dma_start3A_168 : memref<1x128xi32, #tpu.memory_space<hbm>> -> memref<128xi32, #tpu.memory_space<hbm>>
      tpu.enqueue_dma source(%dma_start3A_169 : memref<128xi32, #tpu.memory_space<hbm>>) target(%arg7 : memref<128xi32, #tpu.memory_space<vmem>>) target_semaphore(%arg14 : memref<!tpu.dma_semaphore, #tpu.memory_space<semaphore_mem>>)
      %dma_wait3A_170 = arith.constant 0 : i32
      %dma_wait3A_171 = tpu.memref_slice %arg5[%dma_wait3A_170] : memref<9984xi32, #tpu.memory_space<vmem>> -> memref<128xi32, #tpu.memory_space<vmem>>
      %dma_wait3A_172 = arith.constant 0 : i32
      %dma_wait3A_173 = arith.constant 0 : i32
      %dma_wait3A_174 = tpu.memref_slice %arg2[%dma_wait3A_172, %dma_wait3A_173] : memref<10000x128xf32, #tpu.memory_space<hbm>> -> memref<10000x128xf32, #tpu.memory_space<hbm>>
      tpu.wait_indirect_dma semaphore(%arg11 : memref<!tpu.dma_semaphore, #tpu.memory_space<semaphore_mem>>) src(%dma_wait3A_174 : memref<10000x128xf32, #tpu.memory_space<hbm>>) dst(%arg8 : memref<128x128xf32, #tpu.memory_space<vmem>>)
      %dma_wait3A_175 = arith.constant 0 : i32
      %dma_wait3A_176 = tpu.memref_slice %arg3[%dma_wait3A_175, %mul3A_4] : memref<2x320000xi32, #tpu.memory_space<hbm>> -> memref<1x128xi32, #tpu.memory_space<hbm>>
      %dma_wait3A_177 = tpu.memref_squeeze %dma_wait3A_176 : memref<1x128xi32, #tpu.memory_space<hbm>> -> memref<128xi32, #tpu.memory_space<hbm>>
      %dma_wait3A_178 = tpu.memref_slice %arg3[%dma_wait3A_175, %mul3A_4] : memref<2x320000xi32, #tpu.memory_space<hbm>> -> memref<1x128xi32, #tpu.memory_space<hbm>>
      %dma_wait3A_179 = tpu.memref_squeeze %dma_wait3A_178 : memref<1x128xi32, #tpu.memory_space<hbm>> -> memref<128xi32, #tpu.memory_space<hbm>>
      tpu.wait_dma2 semaphore(%arg13 : memref<!tpu.dma_semaphore, #tpu.memory_space<semaphore_mem>>) src(%dma_wait3A_179 : memref<128xi32, #tpu.memory_space<hbm>>) dst(%arg6 : memref<128xi32, #tpu.memory_space<vmem>>)
      %dma_start3A_180 = arith.constant 0 : i32
      %dma_start3A_181 = arith.constant 0 : i32
      %dma_start3A_182 = tpu.memref_slice %arg10[%dma_start3A_180, %dma_start3A_181] : memref<10112x128xf32, #tpu.memory_space<vmem_shared>> -> memref<10112x128xf32, #tpu.memory_space<vmem_shared>>
      tpu.enqueue_indirect_dma source(%arg8 : memref<128x128xf32, #tpu.memory_space<vmem>>) target(%dma_start3A_182 : memref<10112x128xf32, #tpu.memory_space<vmem_shared>>) offsets(%arg6 : memref<128xi32, #tpu.memory_space<vmem>>) semaphore(%arg15 : memref<!tpu.dma_semaphore, #tpu.memory_space<semaphore_mem>>) {add = true}
    }
    %scan3A_81 = arith.constant 38 : i32
    %dma_wait3A_82 = arith.constant 0 : i32
    %dma_wait3A_83 = arith.constant 0 : i32
    %dma_wait3A_84 = tpu.memref_slice %arg10[%dma_wait3A_82, %dma_wait3A_83] : memref<10112x128xf32, #tpu.memory_space<vmem_shared>> -> memref<10112x128xf32, #tpu.memory_space<vmem_shared>>
    tpu.wait_indirect_dma semaphore(%arg15 : memref<!tpu.dma_semaphore, #tpu.memory_space<semaphore_mem>>) src(%arg8 : memref<128x128xf32, #tpu.memory_space<vmem>>) dst(%dma_wait3A_84 : memref<10112x128xf32, #tpu.memory_space<vmem_shared>>)
    %dma_wait3A_85 = arith.constant 0 : i32
    %dma_wait3A_86 = tpu.memref_slice %arg5[%dma_wait3A_85] : memref<9984xi32, #tpu.memory_space<vmem>> -> memref<128xi32, #tpu.memory_space<vmem>>
    %dma_wait3A_87 = arith.constant 0 : i32
    %dma_wait3A_88 = arith.constant 0 : i32
    %dma_wait3A_89 = tpu.memref_slice %arg2[%dma_wait3A_87, %dma_wait3A_88] : memref<10000x128xf32, #tpu.memory_space<hbm>> -> memref<10000x128xf32, #tpu.memory_space<hbm>>
    tpu.wait_indirect_dma semaphore(%arg12 : memref<!tpu.dma_semaphore, #tpu.memory_space<semaphore_mem>>) src(%dma_wait3A_89 : memref<10000x128xf32, #tpu.memory_space<hbm>>) dst(%arg9 : memref<128x128xf32, #tpu.memory_space<vmem>>)
    %dma_wait3A_90 = arith.constant 0 : i32
    %dma_wait3A_91 = tpu.memref_slice %arg3[%dma_wait3A_90, %mul3A_4] : memref<2x320000xi32, #tpu.memory_space<hbm>> -> memref<1x128xi32, #tpu.memory_space<hbm>>
    %dma_wait3A_92 = tpu.memref_squeeze %dma_wait3A_91 : memref<1x128xi32, #tpu.memory_space<hbm>> -> memref<128xi32, #tpu.memory_space<hbm>>
    %dma_wait3A_93 = tpu.memref_slice %arg3[%dma_wait3A_90, %mul3A_4] : memref<2x320000xi32, #tpu.memory_space<hbm>> -> memref<1x128xi32, #tpu.memory_space<hbm>>
    %dma_wait3A_94 = tpu.memref_squeeze %dma_wait3A_93 : memref<1x128xi32, #tpu.memory_space<hbm>> -> memref<128xi32, #tpu.memory_space<hbm>>
    tpu.wait_dma2 semaphore(%arg14 : memref<!tpu.dma_semaphore, #tpu.memory_space<semaphore_mem>>) src(%dma_wait3A_94 : memref<128xi32, #tpu.memory_space<hbm>>) dst(%arg7 : memref<128xi32, #tpu.memory_space<vmem>>)
    %dma_start3A_95 = arith.constant 0 : i32
    %dma_start3A_96 = arith.constant 0 : i32
    %dma_start3A_97 = tpu.memref_slice %arg10[%dma_start3A_95, %dma_start3A_96] : memref<10112x128xf32, #tpu.memory_space<vmem_shared>> -> memref<10112x128xf32, #tpu.memory_space<vmem_shared>>
    tpu.enqueue_indirect_dma source(%arg9 : memref<128x128xf32, #tpu.memory_space<vmem>>) target(%dma_start3A_97 : memref<10112x128xf32, #tpu.memory_space<vmem_shared>>) offsets(%arg7 : memref<128xi32, #tpu.memory_space<vmem>>) semaphore(%arg16 : memref<!tpu.dma_semaphore, #tpu.memory_space<semaphore_mem>>) {add = true}
    %dma_wait3A_98 = arith.constant 0 : i32
    %dma_wait3A_99 = arith.constant 0 : i32
    %dma_wait3A_100 = tpu.memref_slice %arg10[%dma_wait3A_98, %dma_wait3A_99] : memref<10112x128xf32, #tpu.memory_space<vmem_shared>> -> memref<10112x128xf32, #tpu.memory_space<vmem_shared>>
    tpu.wait_indirect_dma semaphore(%arg16 : memref<!tpu.dma_semaphore, #tpu.memory_space<semaphore_mem>>) src(%arg9 : memref<128x128xf32, #tpu.memory_space<vmem>>) dst(%dma_wait3A_100 : memref<10112x128xf32, #tpu.memory_space<vmem_shared>>)
    %add3A_101 = arith.constant 0 : i32
    %add3A_102 = arith.addi %add3A_101, %add3A : i32
    %lt3A = arith.constant 4 : i32
    %lt3A_103 = arith.cmpi slt, %add3A_102, %lt3A : i32
    %convert_element_type3A = arith.extui %lt3A_103 : i1 to i32
    %cond3A = arith.constant 0 : i32
    %cond3A_104 = arith.cmpi ne, %convert_element_type3A, %cond3A : i32
    scf.if %cond3A_104 {
      %add3A_110 = arith.constant 2496 : i32
      %add3A_111 = arith.addi %add3A_110, %add3A_102 : i32
      %mul3A_112 = arith.constant 128 : i32
      %mul3A_113 = arith.muli %add3A_111, %mul3A_112 : i32
      %run_scoped3A = arith.constant 1 : i32
      "tpu.region"() ({
        %run_scoped3A_134 = tpu.sem_alloc : memref<!tpu.dma_semaphore, #tpu.memory_space<semaphore_mem>>
        %dma_start3A_135 = arith.constant 0 : i32
        %dma_start3A_136 = tpu.memref_slice %arg5[%dma_start3A_135] : memref<9984xi32, #tpu.memory_space<vmem>> -> memref<128xi32, #tpu.memory_space<vmem>>
        %dma_start3A_137 = tpu.memref_slice %arg3[%run_scoped3A, %mul3A_113] : memref<2x320000xi32, #tpu.memory_space<hbm>> -> memref<1x128xi32, #tpu.memory_space<hbm>>
        %dma_start3A_138 = tpu.memref_squeeze %dma_start3A_137 : memref<1x128xi32, #tpu.memory_space<hbm>> -> memref<128xi32, #tpu.memory_space<hbm>>
        %dma_start3A_139 = arith.constant 0 : i32
        %dma_start3A_140 = tpu.memref_slice %arg5[%dma_start3A_139] : memref<9984xi32, #tpu.memory_space<vmem>> -> memref<128xi32, #tpu.memory_space<vmem>>
        %dma_start3A_141 = tpu.memref_slice %arg3[%run_scoped3A, %mul3A_113] : memref<2x320000xi32, #tpu.memory_space<hbm>> -> memref<1x128xi32, #tpu.memory_space<hbm>>
        %dma_start3A_142 = tpu.memref_squeeze %dma_start3A_141 : memref<1x128xi32, #tpu.memory_space<hbm>> -> memref<128xi32, #tpu.memory_space<hbm>>
        tpu.enqueue_dma source(%dma_start3A_142 : memref<128xi32, #tpu.memory_space<hbm>>) target(%dma_start3A_140 : memref<128xi32, #tpu.memory_space<vmem>>) target_semaphore(%run_scoped3A_134 : memref<!tpu.dma_semaphore, #tpu.memory_space<semaphore_mem>>)
        %dma_wait3A_143 = arith.constant 0 : i32
        %dma_wait3A_144 = tpu.memref_slice %arg5[%dma_wait3A_143] : memref<9984xi32, #tpu.memory_space<vmem>> -> memref<128xi32, #tpu.memory_space<vmem>>
        %dma_wait3A_145 = tpu.memref_slice %arg3[%run_scoped3A, %mul3A_113] : memref<2x320000xi32, #tpu.memory_space<hbm>> -> memref<1x128xi32, #tpu.memory_space<hbm>>
        %dma_wait3A_146 = tpu.memref_squeeze %dma_wait3A_145 : memref<1x128xi32, #tpu.memory_space<hbm>> -> memref<128xi32, #tpu.memory_space<hbm>>
        %dma_wait3A_147 = arith.constant 0 : i32
        %dma_wait3A_148 = tpu.memref_slice %arg5[%dma_wait3A_147] : memref<9984xi32, #tpu.memory_space<vmem>> -> memref<128xi32, #tpu.memory_space<vmem>>
        %dma_wait3A_149 = tpu.memref_slice %arg3[%run_scoped3A, %mul3A_113] : memref<2x320000xi32, #tpu.memory_space<hbm>> -> memref<1x128xi32, #tpu.memory_space<hbm>>
        %dma_wait3A_150 = tpu.memref_squeeze %dma_wait3A_149 : memref<1x128xi32, #tpu.memory_space<hbm>> -> memref<128xi32, #tpu.memory_space<hbm>>
        tpu.wait_dma2 semaphore(%run_scoped3A_134 : memref<!tpu.dma_semaphore, #tpu.memory_space<semaphore_mem>>) src(%dma_wait3A_150 : memref<128xi32, #tpu.memory_space<hbm>>) dst(%dma_wait3A_148 : memref<128xi32, #tpu.memory_space<vmem>>)
        tpu.yield
      }) : () -> ()
      %dma_start3A_114 = arith.constant 0 : i32
      %dma_start3A_115 = tpu.memref_slice %arg3[%dma_start3A_114, %mul3A_113] : memref<2x320000xi32, #tpu.memory_space<hbm>> -> memref<1x128xi32, #tpu.memory_space<hbm>>
      %dma_start3A_116 = tpu.memref_squeeze %dma_start3A_115 : memref<1x128xi32, #tpu.memory_space<hbm>> -> memref<128xi32, #tpu.memory_space<hbm>>
      %dma_start3A_117 = tpu.memref_slice %arg3[%dma_start3A_114, %mul3A_113] : memref<2x320000xi32, #tpu.memory_space<hbm>> -> memref<1x128xi32, #tpu.memory_space<hbm>>
      %dma_start3A_118 = tpu.memref_squeeze %dma_start3A_117 : memref<1x128xi32, #tpu.memory_space<hbm>> -> memref<128xi32, #tpu.memory_space<hbm>>
      tpu.enqueue_dma source(%dma_start3A_118 : memref<128xi32, #tpu.memory_space<hbm>>) target(%arg6 : memref<128xi32, #tpu.memory_space<vmem>>) target_semaphore(%arg13 : memref<!tpu.dma_semaphore, #tpu.memory_space<semaphore_mem>>)
      %dma_start3A_119 = arith.constant 0 : i32
      %dma_start3A_120 = tpu.memref_slice %arg5[%dma_start3A_119] : memref<9984xi32, #tpu.memory_space<vmem>> -> memref<128xi32, #tpu.memory_space<vmem>>
      %dma_start3A_121 = arith.constant 0 : i32
      %dma_start3A_122 = arith.constant 0 : i32
      %dma_start3A_123 = tpu.memref_slice %arg2[%dma_start3A_121, %dma_start3A_122] : memref<10000x128xf32, #tpu.memory_space<hbm>> -> memref<10000x128xf32, #tpu.memory_space<hbm>>
      tpu.enqueue_indirect_dma source(%dma_start3A_123 : memref<10000x128xf32, #tpu.memory_space<hbm>>) target(%arg8 : memref<128x128xf32, #tpu.memory_space<vmem>>) offsets(%dma_start3A_120 : memref<128xi32, #tpu.memory_space<vmem>>) semaphore(%arg11 : memref<!tpu.dma_semaphore, #tpu.memory_space<semaphore_mem>>)
      %dma_wait3A_124 = arith.constant 0 : i32
      %dma_wait3A_125 = tpu.memref_slice %arg3[%dma_wait3A_124, %mul3A_113] : memref<2x320000xi32, #tpu.memory_space<hbm>> -> memref<1x128xi32, #tpu.memory_space<hbm>>
      %dma_wait3A_126 = tpu.memref_squeeze %dma_wait3A_125 : memref<1x128xi32, #tpu.memory_space<hbm>> -> memref<128xi32, #tpu.memory_space<hbm>>
      %dma_wait3A_127 = tpu.memref_slice %arg3[%dma_wait3A_124, %mul3A_113] : memref<2x320000xi32, #tpu.memory_space<hbm>> -> memref<1x128xi32, #tpu.memory_space<hbm>>
      %dma_wait3A_128 = tpu.memref_squeeze %dma_wait3A_127 : memref<1x128xi32, #tpu.memory_space<hbm>> -> memref<128xi32, #tpu.memory_space<hbm>>
      tpu.wait_dma2 semaphore(%arg13 : memref<!tpu.dma_semaphore, #tpu.memory_space<semaphore_mem>>) src(%dma_wait3A_128 : memref<128xi32, #tpu.memory_space<hbm>>) dst(%arg6 : memref<128xi32, #tpu.memory_space<vmem>>)
      %dma_wait3A_129 = arith.constant 0 : i32
      %dma_wait3A_130 = tpu.memref_slice %arg5[%dma_wait3A_129] : memref<9984xi32, #tpu.memory_space<vmem>> -> memref<128xi32, #tpu.memory_space<vmem>>
      %dma_wait3A_131 = arith.constant 0 : i32
      %dma_wait3A_132 = arith.constant 0 : i32
      %dma_wait3A_133 = tpu.memref_slice %arg2[%dma_wait3A_131, %dma_wait3A_132] : memref<10000x128xf32, #tpu.memory_space<hbm>> -> memref<10000x128xf32, #tpu.memory_space<hbm>>
      tpu.wait_indirect_dma semaphore(%arg11 : memref<!tpu.dma_semaphore, #tpu.memory_space<semaphore_mem>>) src(%dma_wait3A_133 : memref<10000x128xf32, #tpu.memory_space<hbm>>) dst(%arg8 : memref<128x128xf32, #tpu.memory_space<vmem>>)
      "tpu.region"() ({
        %run_scoped3A_134 = tpu.sem_alloc : memref<!tpu.dma_semaphore, #tpu.memory_space<semaphore_mem>>
        %dma_start3A_135 = arith.constant 0 : i32
        %dma_start3A_136 = arith.constant 0 : i32
        %dma_start3A_137 = tpu.memref_slice %arg10[%dma_start3A_135, %dma_start3A_136] : memref<10112x128xf32, #tpu.memory_space<vmem_shared>> -> memref<10112x128xf32, #tpu.memory_space<vmem_shared>>
        tpu.enqueue_indirect_dma source(%arg8 : memref<128x128xf32, #tpu.memory_space<vmem>>) target(%dma_start3A_137 : memref<10112x128xf32, #tpu.memory_space<vmem_shared>>) offsets(%arg6 : memref<128xi32, #tpu.memory_space<vmem>>) semaphore(%run_scoped3A_134 : memref<!tpu.dma_semaphore, #tpu.memory_space<semaphore_mem>>) {add = true}
        %dma_wait3A_138 = arith.constant 0 : i32
        %dma_wait3A_139 = arith.constant 0 : i32
        %dma_wait3A_140 = tpu.memref_slice %arg10[%dma_wait3A_138, %dma_wait3A_139] : memref<10112x128xf32, #tpu.memory_space<vmem_shared>> -> memref<10112x128xf32, #tpu.memory_space<vmem_shared>>
        tpu.wait_indirect_dma semaphore(%run_scoped3A_134 : memref<!tpu.dma_semaphore, #tpu.memory_space<semaphore_mem>>) src(%arg8 : memref<128x128xf32, #tpu.memory_space<vmem>>) dst(%dma_wait3A_140 : memref<10112x128xf32, #tpu.memory_space<vmem_shared>>)
        tpu.yield
      }) : () -> ()
    } else {
    }
    %barrier3A_105 = arith.constant 0 : index
    tpu.barrier barrier_id(%barrier3A_105)
    %mul3A_106 = arith.constant 632 : i32
    %mul3A_107 = arith.muli %arg1, %mul3A_106 : i32
    %mul3A_108 = arith.constant 632 : i32
    %mul3A_109 = arith.muli %arg1, %mul3A_108 : i32
    "tpu.region"() ({
      %run_scoped3A = tpu.sem_alloc : memref<!tpu.dma_semaphore, #tpu.memory_space<semaphore_mem>>
      %dma_start3A_110 = arith.constant 0 : i32
      %dma_start3A_111 = tpu.memref_slice %arg4[%arg0, %mul3A_109, %dma_start3A_110] : memref<2x10112x128xf32, #tpu.memory_space<hbm>> -> memref<1x632x128xf32, #tpu.memory_space<hbm>>
      %dma_start3A_112 = tpu.memref_squeeze %dma_start3A_111 : memref<1x632x128xf32, #tpu.memory_space<hbm>> -> memref<632x128xf32, #tpu.memory_space<hbm>>
      %dma_start3A_113 = arith.constant 0 : i32
      %dma_start3A_114 = tpu.memref_slice %arg10[%mul3A_107, %dma_start3A_113] : memref<10112x128xf32, #tpu.memory_space<vmem_shared>> -> memref<632x128xf32, #tpu.memory_space<vmem_shared>>
      tpu.enqueue_dma source(%dma_start3A_114 : memref<632x128xf32, #tpu.memory_space<vmem_shared>>) target(%dma_start3A_112 : memref<632x128xf32, #tpu.memory_space<hbm>>) target_semaphore(%run_scoped3A : memref<!tpu.dma_semaphore, #tpu.memory_space<semaphore_mem>>)
      %dma_wait3A_115 = arith.constant 0 : i32
      %dma_wait3A_116 = tpu.memref_slice %arg4[%arg0, %mul3A_109, %dma_wait3A_115] : memref<2x10112x128xf32, #tpu.memory_space<hbm>> -> memref<1x632x128xf32, #tpu.memory_space<hbm>>
      %dma_wait3A_117 = tpu.memref_squeeze %dma_wait3A_116 : memref<1x632x128xf32, #tpu.memory_space<hbm>> -> memref<632x128xf32, #tpu.memory_space<hbm>>
      %dma_wait3A_118 = arith.constant 0 : i32
      %dma_wait3A_119 = tpu.memref_slice %arg10[%mul3A_107, %dma_wait3A_118] : memref<10112x128xf32, #tpu.memory_space<vmem_shared>> -> memref<632x128xf32, #tpu.memory_space<vmem_shared>>
      tpu.wait_dma2 semaphore(%run_scoped3A : memref<!tpu.dma_semaphore, #tpu.memory_space<semaphore_mem>>) src(%dma_wait3A_119 : memref<632x128xf32, #tpu.memory_space<vmem_shared>>) dst(%dma_wait3A_117 : memref<632x128xf32, #tpu.memory_space<hbm>>)
      tpu.yield
    }) : () -> ()
    return
  }
}

module attributes {stable_mosaic.version = 14 : i64} {
  func.func @_mlp_body(%arg0: i32, %arg1: i32, %arg2: memref<2000x128xf32, #tpu.memory_space<vmem>>, %arg3: memref<1x2000x128xf32, #tpu.memory_space<vmem>>, %arg4: memref<1x2000x128xf32, #tpu.memory_space<vmem>>, %arg5: memref<1x1xf32, #tpu.memory_space<vmem>>, %arg6: memref<128x128xf32, #tpu.memory_space<vmem>>, %arg7: memref<1x128xf32, #tpu.memory_space<vmem>>, %arg8: memref<1x128xf32, #tpu.memory_space<vmem>>, %arg9: memref<128x128xf32, #tpu.memory_space<vmem>>, %arg10: memref<1x1xf32, #tpu.memory_space<vmem>>, %arg11: memref<2000x128xf32, #tpu.memory_space<vmem>>, %arg12: memref<10000x128xf32, #tpu.memory_space<vmem>>, %arg13: memref<8x128xf32, #tpu.memory_space<vmem>>) attributes {dimension_semantics = [#tpu.dimension_semantics<arbitrary>, #tpu.dimension_semantics<arbitrary>], iteration_bounds = array<i64: 2, 5>, scalar_prefetch = 0 : i64, scratch_operands = 2 : i64, tpu.core_type = #tpu.core_type<tc>, window_params = [{transform_indices = @transform_0, window_bounds = array<i64: 2000, 128>}, {transform_indices = @transform_1, window_bounds = array<i64: 1, 2000, 128>}, {transform_indices = @transform_2, window_bounds = array<i64: 1, 2000, 128>}, {pipeline_mode = #tpu.pipeline_mode<synchronous>, transform_indices = @transform_3, window_bounds = array<i64: 1, 1>}, {pipeline_mode = #tpu.pipeline_mode<synchronous>, transform_indices = @transform_4, window_bounds = array<i64: 128, 128>}, {pipeline_mode = #tpu.pipeline_mode<synchronous>, transform_indices = @transform_5, window_bounds = array<i64: 1, 128>}, {pipeline_mode = #tpu.pipeline_mode<synchronous>, transform_indices = @transform_6, window_bounds = array<i64: 1, 128>}, {pipeline_mode = #tpu.pipeline_mode<synchronous>, transform_indices = @transform_7, window_bounds = array<i64: 128, 128>}, {pipeline_mode = #tpu.pipeline_mode<synchronous>, transform_indices = @transform_8, window_bounds = array<i64: 1, 1>}, {transform_indices = @transform_9, window_bounds = array<i64: 2000, 128>}]} {
    %eq3A = arith.constant 0 : i32
    %eq3A_0 = arith.cmpi eq, %arg0, %eq3A : i32
    %convert_element_type3A = arith.extui %eq3A_0 : i1 to i32
    %cond3A = arith.constant 0 : i32
    %cond3A_1 = arith.cmpi ne, %convert_element_type3A, %cond3A : i32
    scf.if %cond3A_1 {
      %get3A = arith.constant 0 : index
      %get3A_7 = arith.constant 0 : index
      %get3A_8 = vector.load %arg2[%get3A, %get3A_7] : memref<2000x128xf32, #tpu.memory_space<vmem>>, vector<2000x128xf32>
      %get3A_9 = arith.constant 0 : index
      %get3A_10 = arith.constant 0 : index
      %get3A_11 = vector.load %arg5[%get3A_9, %get3A_10] : memref<1x1xf32, #tpu.memory_space<vmem>>, vector<1x1xf32>
      %get3A_12 = vector.extract %get3A_11[0, 0] : f32 from vector<1x1xf32>
      %add3A = arith.constant 1.000000e+00 : f32
      %add3A_13 = arith.addf %add3A, %get3A_12 : f32
      %mul3A = vector.broadcast %add3A_13 : f32 to vector<2000x128xf32>
      %mul3A_14 = arith.mulf %get3A_8, %mul3A : vector<2000x128xf32>
      %get3A_15 = arith.constant 0 : index
      %get3A_16 = arith.constant 0 : index
      %get3A_17 = arith.constant 0 : index
      %get3A_18 = vector.load %arg3[%get3A_15, %get3A_16, %get3A_17] : memref<1x2000x128xf32, #tpu.memory_space<vmem>>, vector<1x2000x128xf32>
      %get3A_19 = vector.shape_cast %get3A_18 : vector<1x2000x128xf32> to vector<2000x128xf32>
      %add3A_20 = arith.addf %mul3A_14, %get3A_19 : vector<2000x128xf32>
      %get3A_21 = arith.constant 0 : index
      %get3A_22 = arith.constant 0 : index
      %get3A_23 = arith.constant 0 : index
      %get3A_24 = vector.load %arg4[%get3A_21, %get3A_22, %get3A_23] : memref<1x2000x128xf32, #tpu.memory_space<vmem>>, vector<1x2000x128xf32>
      %get3A_25 = vector.shape_cast %get3A_24 : vector<1x2000x128xf32> to vector<2000x128xf32>
      %add3A_26 = arith.addf %add3A_20, %get3A_25 : vector<2000x128xf32>
      %get3A_27 = arith.constant 0 : index
      %get3A_28 = arith.constant 0 : index
      %get3A_29 = vector.load %arg6[%get3A_27, %get3A_28] : memref<128x128xf32, #tpu.memory_space<vmem>>, vector<128x128xf32>
      %dot_general3A = arith.constant dense<0.000000e+00> : vector<2000x128xf32>
      %dot_general3A_30 = tpu.matmul %add3A_26, %get3A_29, %dot_general3A {dimension_numbers = #tpu.dot_dimension_numbers<[1], [0], [0], [1], [0, 0, 1, 1], [], []>, transpose_lhs_hint = false} : vector<2000x128xf32>, vector<128x128xf32>, vector<2000x128xf32> -> vector<2000x128xf32>
      %mul3A_31 = arith.constant 2000 : i32
      %mul3A_32 = arith.muli %arg1, %mul3A_31 : i32
      %swap3A = arith.index_cast %mul3A_32 : i32 to index
      %swap3A_33 = arith.constant 0 : index
      %swap3A_34 = vector.load %arg12[%swap3A, %swap3A_33] : memref<10000x128xf32, #tpu.memory_space<vmem>>, vector<2000x128xf32>
      tpu.vector_store %arg12[%swap3A, %swap3A_33], %dot_general3A_30 {strides = array<i32>} : memref<10000x128xf32, #tpu.memory_space<vmem>>, vector<2000x128xf32>,
      %reduce_sum3A = arith.constant dense<0.000000e+00> : vector<128xf32>
      %reduce_sum3A_35 = vector.multi_reduction <add>, %dot_general3A_30, %reduce_sum3A [0] : vector<2000x128xf32> to vector<128xf32>
      %broadcast_in_dim3A = vector.shape_cast %reduce_sum3A_35 : vector<128xf32> to vector<1x128xf32>
      %mul3A_36 = arith.mulf %dot_general3A_30, %dot_general3A_30 : vector<2000x128xf32>
      %reduce_sum3A_37 = arith.constant dense<0.000000e+00> : vector<128xf32>
      %reduce_sum3A_38 = vector.multi_reduction <add>, %mul3A_36, %reduce_sum3A_37 [0] : vector<2000x128xf32> to vector<128xf32>
      %broadcast_in_dim3A_39 = vector.shape_cast %reduce_sum3A_38 : vector<128xf32> to vector<1x128xf32>
      %broadcast_in_dim3A_40 = arith.constant 0.000000e+00 : f32
      %broadcast_in_dim3A_41 = vector.broadcast %broadcast_in_dim3A_40 : f32 to vector<6x128xf32>
      %concatenate3A = tpu.concatenate %broadcast_in_dim3A, %broadcast_in_dim3A_39, %broadcast_in_dim3A_41 in 0 : vector<1x128xf32>, vector<1x128xf32>, vector<6x128xf32> -> vector<8x128xf32>
      %eq3A_42 = arith.constant 0 : i32
      %eq3A_43 = arith.cmpi eq, %arg1, %eq3A_42 : i32
      %convert_element_type3A_44 = arith.extui %eq3A_43 : i1 to i32
      %cond3A_45 = arith.constant 0 : i32
      %cond3A_46 = arith.cmpi ne, %convert_element_type3A_44, %cond3A_45 : i32
      scf.if %cond3A_46 {
        %broadcast_in_dim3A_54 = arith.constant 0.000000e+00 : f32
        %broadcast_in_dim3A_55 = vector.broadcast %broadcast_in_dim3A_54 : f32 to vector<8x128xf32>
        %swap3A_56 = arith.constant 0 : index
        %swap3A_57 = arith.constant 0 : index
        %swap3A_58 = vector.load %arg13[%swap3A_56, %swap3A_57] : memref<8x128xf32, #tpu.memory_space<vmem>>, vector<8x128xf32>
        tpu.vector_store %arg13[%swap3A_56, %swap3A_57], %broadcast_in_dim3A_55 {strides = array<i32>} : memref<8x128xf32, #tpu.memory_space<vmem>>, vector<8x128xf32>,
      } else {
      }
      %get3A_47 = arith.constant 0 : index
      %get3A_48 = arith.constant 0 : index
      %get3A_49 = vector.load %arg13[%get3A_47, %get3A_48] : memref<8x128xf32, #tpu.memory_space<vmem>>, vector<8x128xf32>
      %add3A_50 = arith.addf %get3A_49, %concatenate3A : vector<8x128xf32>
      %swap3A_51 = arith.constant 0 : index
      %swap3A_52 = arith.constant 0 : index
      %swap3A_53 = vector.load %arg13[%swap3A_51, %swap3A_52] : memref<8x128xf32, #tpu.memory_space<vmem>>, vector<8x128xf32>
      tpu.vector_store %arg13[%swap3A_51, %swap3A_52], %add3A_50 {strides = array<i32>} : memref<8x128xf32, #tpu.memory_space<vmem>>, vector<8x128xf32>,
    } else {
    }
    %eq3A_2 = arith.constant 1 : i32
    %eq3A_3 = arith.cmpi eq, %arg0, %eq3A_2 : i32
    %convert_element_type3A_4 = arith.extui %eq3A_3 : i1 to i32
    %cond3A_5 = arith.constant 0 : i32
    %cond3A_6 = arith.cmpi ne, %convert_element_type3A_4, %cond3A_5 : i32
    scf.if %cond3A_6 {
      %get3A = arith.constant 0 : index
      %get3A_7 = arith.constant 0 : index
      %get3A_8 = vector.load %arg10[%get3A, %get3A_7] : memref<1x1xf32, #tpu.memory_space<vmem>>, vector<1x1xf32>
      %get3A_9 = vector.extract %get3A_8[0, 0] : f32 from vector<1x1xf32>
      %get3A_10 = arith.constant 0 : index
      %get3A_11 = arith.constant 0 : index
      %get3A_12 = vector.load %arg13[%get3A_10, %get3A_11] : memref<8x128xf32, #tpu.memory_space<vmem>>, vector<8x128xf32>
      %slice3A = vector.extract_strided_slice %get3A_12 {offsets = [0, 0], sizes = [1, 128], strides = [1, 1]} : vector<8x128xf32> to vector<1x128xf32>
      %mul3A = vector.broadcast %get3A_9 : f32 to vector<1x128xf32>
      %mul3A_13 = arith.mulf %slice3A, %mul3A : vector<1x128xf32>
      %slice3A_14 = vector.extract_strided_slice %get3A_12 {offsets = [1, 0], sizes = [1, 128], strides = [1, 1]} : vector<8x128xf32> to vector<1x128xf32>
      %mul3A_15 = vector.broadcast %get3A_9 : f32 to vector<1x128xf32>
      %mul3A_16 = arith.mulf %slice3A_14, %mul3A_15 : vector<1x128xf32>
      %mul3A_17 = arith.mulf %mul3A_13, %mul3A_13 : vector<1x128xf32>
      %sub3A = arith.subf %mul3A_16, %mul3A_17 : vector<1x128xf32>
      %add3A = arith.constant 9.99999974E-6 : f32
      %add3A_18 = vector.broadcast %add3A : f32 to vector<1x128xf32>
      %add3A_19 = arith.addf %sub3A, %add3A_18 : vector<1x128xf32>
      %rsqrt3A = math.rsqrt %add3A_19 : vector<1x128xf32>
      %mul3A_20 = arith.constant 2000 : i32
      %mul3A_21 = arith.muli %arg1, %mul3A_20 : i32
      %get3A_22 = arith.index_cast %mul3A_21 : i32 to index
      %get3A_23 = arith.constant 0 : index
      %get3A_24 = vector.load %arg12[%get3A_22, %get3A_23] : memref<10000x128xf32, #tpu.memory_space<vmem>>, vector<2000x128xf32>
      %sub3A_25 = vector.broadcast %mul3A_13 : vector<1x128xf32> to vector<2000x128xf32>
      %sub3A_26 = arith.subf %get3A_24, %sub3A_25 : vector<2000x128xf32>
      %get3A_27 = arith.constant 0 : index
      %get3A_28 = arith.constant 0 : index
      %get3A_29 = vector.load %arg7[%get3A_27, %get3A_28] : memref<1x128xf32, #tpu.memory_space<vmem>>, vector<1x128xf32>
      %mul3A_30 = arith.mulf %rsqrt3A, %get3A_29 : vector<1x128xf32>
      %mul3A_31 = vector.broadcast %mul3A_30 : vector<1x128xf32> to vector<2000x128xf32>
      %mul3A_32 = arith.mulf %sub3A_26, %mul3A_31 : vector<2000x128xf32>
      %get3A_33 = arith.constant 0 : index
      %get3A_34 = arith.constant 0 : index
      %get3A_35 = vector.load %arg8[%get3A_33, %get3A_34] : memref<1x128xf32, #tpu.memory_space<vmem>>, vector<1x128xf32>
      %add3A_36 = vector.broadcast %get3A_35 : vector<1x128xf32> to vector<2000x128xf32>
      %add3A_37 = arith.addf %mul3A_32, %add3A_36 : vector<2000x128xf32>
      %max3A = arith.constant 0.000000e+00 : f32
      %max3A_38 = vector.broadcast %max3A : f32 to vector<2000x128xf32>
      %max3A_39 = arith.maximumf %add3A_37, %max3A_38 : vector<2000x128xf32>
      %get3A_40 = arith.constant 0 : index
      %get3A_41 = arith.constant 0 : index
      %get3A_42 = vector.load %arg9[%get3A_40, %get3A_41] : memref<128x128xf32, #tpu.memory_space<vmem>>, vector<128x128xf32>
      %dot_general3A = arith.constant dense<0.000000e+00> : vector<2000x128xf32>
      %dot_general3A_43 = tpu.matmul %max3A_39, %get3A_42, %dot_general3A {dimension_numbers = #tpu.dot_dimension_numbers<[1], [0], [0], [1], [0, 0, 1, 1], [], []>, transpose_lhs_hint = false} : vector<2000x128xf32>, vector<128x128xf32>, vector<2000x128xf32> -> vector<2000x128xf32>
      %swap3A = arith.constant 0 : index
      %swap3A_44 = arith.constant 0 : index
      %swap3A_45 = vector.load %arg11[%swap3A, %swap3A_44] : memref<2000x128xf32, #tpu.memory_space<vmem>>, vector<2000x128xf32>
      tpu.vector_store %arg11[%swap3A, %swap3A_44], %dot_general3A_43 {strides = array<i32>} : memref<2000x128xf32, #tpu.memory_space<vmem>>, vector<2000x128xf32>,
    } else {
    }
    return
  }
  func.func @transform_0(%arg0: i32, %arg1: i32) -> (i32, i32) {
    %c0_i32 = arith.constant 0 : i32
    %c0_i32_0 = arith.constant 0 : i32
    return %arg1, %c0_i32 : i32, i32
  }
  func.func @transform_1(%arg0: i32, %arg1: i32) -> (i32, i32, i32) {
    %c0_i32 = arith.constant 0 : i32
    %c0_i32_0 = arith.constant 0 : i32
    %c0_i32_1 = arith.constant 0 : i32
    return %c0_i32, %arg1, %c0_i32_0 : i32, i32, i32
  }
  func.func @transform_2(%arg0: i32, %arg1: i32) -> (i32, i32, i32) {
    %c1_i32 = arith.constant 1 : i32
    %c0_i32 = arith.constant 0 : i32
    %c0_i32_0 = arith.constant 0 : i32
    return %c1_i32, %arg1, %c0_i32 : i32, i32, i32
  }
  func.func @transform_3(%arg0: i32, %arg1: i32) -> (i32, i32) {
    %c0_i32 = arith.constant 0 : i32
    %c0_i32_0 = arith.constant 0 : i32
    %c0_i32_1 = arith.constant 0 : i32
    return %c0_i32, %c0_i32_0 : i32, i32
  }
  func.func @transform_4(%arg0: i32, %arg1: i32) -> (i32, i32) {
    %c0_i32 = arith.constant 0 : i32
    %c0_i32_0 = arith.constant 0 : i32
    %c0_i32_1 = arith.constant 0 : i32
    return %c0_i32, %c0_i32_0 : i32, i32
  }
  func.func @transform_5(%arg0: i32, %arg1: i32) -> (i32, i32) {
    %c0_i32 = arith.constant 0 : i32
    %c0_i32_0 = arith.constant 0 : i32
    %c0_i32_1 = arith.constant 0 : i32
    return %c0_i32, %c0_i32_0 : i32, i32
  }
  func.func @transform_6(%arg0: i32, %arg1: i32) -> (i32, i32) {
    %c0_i32 = arith.constant 0 : i32
    %c0_i32_0 = arith.constant 0 : i32
    %c0_i32_1 = arith.constant 0 : i32
    return %c0_i32, %c0_i32_0 : i32, i32
  }
  func.func @transform_7(%arg0: i32, %arg1: i32) -> (i32, i32) {
    %c0_i32 = arith.constant 0 : i32
    %c0_i32_0 = arith.constant 0 : i32
    %c0_i32_1 = arith.constant 0 : i32
    return %c0_i32, %c0_i32_0 : i32, i32
  }
  func.func @transform_8(%arg0: i32, %arg1: i32) -> (i32, i32) {
    %c0_i32 = arith.constant 0 : i32
    %c0_i32_0 = arith.constant 0 : i32
    %c0_i32_1 = arith.constant 0 : i32
    return %c0_i32, %c0_i32_0 : i32, i32
  }
  func.func @transform_9(%arg0: i32, %arg1: i32) -> (i32, i32) {
    %c0_i32 = arith.constant 0 : i32
    %c0_i32_0 = arith.constant 0 : i32
    return %arg1, %c0_i32 : i32, i32
  }
}

module attributes {stable_mosaic.version = 14 : i64} {
  func.func @_lin_relu_body(%arg0: i32, %arg1: memref<2000x128xf32, #tpu.memory_space<vmem>>, %arg2: memref<128x128xf32, #tpu.memory_space<vmem>>, %arg3: memref<1x128xf32, #tpu.memory_space<vmem>>, %arg4: memref<2000x128xf32, #tpu.memory_space<vmem>>) attributes {dimension_semantics = [#tpu.dimension_semantics<arbitrary>], iteration_bounds = array<i64: 5>, scalar_prefetch = 0 : i64, scratch_operands = 0 : i64, tpu.core_type = #tpu.core_type<tc>, window_params = [{transform_indices = @transform_0, window_bounds = array<i64: 2000, 128>}, {pipeline_mode = #tpu.pipeline_mode<synchronous>, transform_indices = @transform_1, window_bounds = array<i64: 128, 128>}, {pipeline_mode = #tpu.pipeline_mode<synchronous>, transform_indices = @transform_2, window_bounds = array<i64: 1, 128>}, {transform_indices = @transform_3, window_bounds = array<i64: 2000, 128>}]} {
    %get3A = arith.constant 0 : index
    %get3A_0 = arith.constant 0 : index
    %get3A_1 = vector.load %arg1[%get3A, %get3A_0] : memref<2000x128xf32, #tpu.memory_space<vmem>>, vector<2000x128xf32>
    %get3A_2 = arith.constant 0 : index
    %get3A_3 = arith.constant 0 : index
    %get3A_4 = vector.load %arg2[%get3A_2, %get3A_3] : memref<128x128xf32, #tpu.memory_space<vmem>>, vector<128x128xf32>
    %dot_general3A = arith.constant dense<0.000000e+00> : vector<2000x128xf32>
    %dot_general3A_5 = tpu.matmul %get3A_1, %get3A_4, %dot_general3A {dimension_numbers = #tpu.dot_dimension_numbers<[1], [0], [0], [1], [0, 0, 1, 1], [], []>, transpose_lhs_hint = false} : vector<2000x128xf32>, vector<128x128xf32>, vector<2000x128xf32> -> vector<2000x128xf32>
    %get3A_6 = arith.constant 0 : index
    %get3A_7 = arith.constant 0 : index
    %get3A_8 = vector.load %arg3[%get3A_6, %get3A_7] : memref<1x128xf32, #tpu.memory_space<vmem>>, vector<1x128xf32>
    %add3A = vector.broadcast %get3A_8 : vector<1x128xf32> to vector<2000x128xf32>
    %add3A_9 = arith.addf %dot_general3A_5, %add3A : vector<2000x128xf32>
    %max3A = arith.constant 0.000000e+00 : f32
    %max3A_10 = vector.broadcast %max3A : f32 to vector<2000x128xf32>
    %max3A_11 = arith.maximumf %add3A_9, %max3A_10 : vector<2000x128xf32>
    %swap3A = arith.constant 0 : index
    %swap3A_12 = arith.constant 0 : index
    %swap3A_13 = vector.load %arg4[%swap3A, %swap3A_12] : memref<2000x128xf32, #tpu.memory_space<vmem>>, vector<2000x128xf32>
    tpu.vector_store %arg4[%swap3A, %swap3A_12], %max3A_11 {strides = array<i32>} : memref<2000x128xf32, #tpu.memory_space<vmem>>, vector<2000x128xf32>,
    return
  }
  func.func @transform_0(%arg0: i32) -> (i32, i32) {
    %c0_i32 = arith.constant 0 : i32
    %c0_i32_0 = arith.constant 0 : i32
    return %arg0, %c0_i32 : i32, i32
  }
  func.func @transform_1(%arg0: i32) -> (i32, i32) {
    %c0_i32 = arith.constant 0 : i32
    %c0_i32_0 = arith.constant 0 : i32
    %c0_i32_1 = arith.constant 0 : i32
    return %c0_i32, %c0_i32_0 : i32, i32
  }
  func.func @transform_2(%arg0: i32) -> (i32, i32) {
    %c0_i32 = arith.constant 0 : i32
    %c0_i32_0 = arith.constant 0 : i32
    %c0_i32_1 = arith.constant 0 : i32
    return %c0_i32, %c0_i32_0 : i32, i32
  }
  func.func @transform_3(%arg0: i32) -> (i32, i32) {
    %c0_i32 = arith.constant 0 : i32
    %c0_i32_0 = arith.constant 0 : i32
    return %arg0, %c0_i32 : i32, i32
  }
}

</mosaic_0001>

<sc_bundles>
// kernel: kernel.5.cloned.1.call-start
scs
__scs_entry_jumppad:
0x0: {  	(pc) =	sbr.rel $0x88, $3  }
0x1: {  	(tag) =	ssettag $0x0;
	lr =	simm.s32 $0x1  }
0x2: {  	[smem:$0x3F98] =	sst lr;
	_ =	strace $0xD0000000  }
0x3: {  	_ = 	snop  }
0x4: {  	_ = 	snop  }
0x5: {  	_ = 	snop  }
0x6: {  	_ = 	snop  }
0x7: {  	_ = 	snop  }
__scs_overlays_trampoline_lowered:
0x8: {  	[smem:$0x3FA7] =	sst s0  }
0x9: {  	[smem:$0x3FA8] =	sst s1  }
0xa: {  	[smem:$0x3FA9] =	sst s2  }
0xb: {  	[smem:$0x3FAA] =	sst s3  }
0xc: {  	[smem:$0x3FAB] =	sst s4  }
0xd: {  	[smem:$0x3FAC] =	sst s5  }
0xe: {  	[smem:$0x3FAD] =	sst s6  }
0xf: {  	[smem:$0x3FAE] =	sst s7  }
0x10: {  	[smem:$0x3FAF] =	sst s8  }
0x11: {  	[smem:$0x3FB0] =	sst s9;
	s0 =	simm.s32 @!p0 $0x0  }
0x12: {  	s1 =	sld [smem:$0x3F96];
	s0 =	simm.s32 @p0 $0x1  }
0x13: {  	[smem:$0x3FB1] =	sst s0;
	s0 =	simm.s32 @!p1 $0x0  }
0x14: {  	s2 =	sld [smem:$0x3F95];
	s0 =	simm.s32 @p1 $0x1  }
0x15: {  	[smem:$0x3FB2] =	sst s0;
	s0 =	simm.s32 @!p2 $0x0  }
0x16: {  	s3 =	sld [smem:$0x3FDB];
	s0 =	simm.s32 @p2 $0x1  }
0x17: {  	s4 =	simm.s32 $0x1BF5;
	[smem:$0x3FB4] =	sst s0  }
0x18: {  	s0 =	sld [smem:$0x3F97];
	_ =	swait.ge [sflag:s4], $0x0  }
0x19: {  	s7 =	sld [smem:$0x3F98]  }
0x1a: {  	s8 =	sadd.s32 $0xFFFFE003, lr  }
0x1b: {  	s9 =	sadd.s32 $0xFFFFFEF7, lr;
	s5 =	simm.s32 $0xFFFFFFFF;
	p2 =	slt.u32 s8, $0xFFFFF086  }
0x1c: {  	p1 =	slt.u32 s9, $0xF7A;
	s5 =	simm.s32 @!p2 $0x0  }
0x1d: {  	s5 =	simm.s32 @p1 $0x1;
	p0 =	seq.s32 s7, s2  }
0x1e: {  	s7 =	smul.u32 @!p0 $0xF7A, s2;
	p2 =	seq.s32 @!p0 s5, $0x0  }
0x1f: {  	s9 =	smul.u32 $0xF7A, s1;
	s8 =	simm.s32 @!p0 $0x1BF5;
	p2 =	por !p2, p0  }
0x20: {  	[sflag:s8] =	ssyncset.s32 @!p0 $0xFFFFF086;
	s6 =	sadd.s32 @!p0 s3, s7;
	s7 =	simm.s32 @!p0 $0x108  }
0x21: {  	s3 =	sadd.s32 s3, s9;
	s6 =	sadd.s32 @!p0 $0x88, s6;
	s7 =	simm.s32 @p2 $0x1082  }
0x22: {  	[simem:s7], [sflag:s8] =	dma.local @!p0 [hbm:s6], $0xF7A  }
0x23: {  	s9 =	sor.u32 $0xD0000000, s2;
	s6 =	simm.s32 $0x108;
	_ =	swait.ge @!p0 [sflag:s8], $0x0  }
0x24: {  	s3 =	sadd.s32 $0x88, s3;
	s6 =	simm.s32 @!p1 $0x1082;
	[sflag:s4] =	ssyncset.s32 $0xFFFFF086  }
0x25: {  	[simem:s6], [sflag:s4] =	dma.local [hbm:s3], $0xF7A  }
0x26: {  	[smem:$0x3F98] =	sst s1;
	(tag) =	ssettag s2;
	_ =	strace s9  }
0x27: {  	s1 =	sld [smem:$0x3FA8]  }
0x28: {  	s2 =	sld [smem:$0x3FA9]  }
0x29: {  	s4 =	sld [smem:$0x3FAB]  }
0x2a: {  	p0 =	seq.s32 s5, $0x0;
	s5 =	sld [smem:$0x3FAC]  }
0x2b: {  	s6 =	sld [smem:$0x3FAD]  }
0x2c: {  	s7 =	sld [smem:$0x3FAE]  }
0x2d: {  	s3 =	simm.s32 $0x108;
	s8 =	sld [smem:$0x3FAF]  }
0x2e: {  	s3 =	simm.s32 @!p0 $0x1082;
	s9 =	sld [smem:$0x3FB0]  }
0x2f: {  	lr =	sadd.s32 s0, s3;
	s0 =	sld [smem:$0x3FA7]  }
0x30: {  	s3 =	sld [smem:$0x3FAA]  }
0x31: {  	[smem:$0x3FB3] =	sst s10  }
0x32: {  	s10 =	sld [smem:$0x3FB1];
	_ =	sdelay $0x3  }
0x33: {  	p0 =	seq.s32 s10, $0x1;
	s10 =	sld [smem:$0x3FB3];
	_ =	sdelay $0x3  }
0x34: {  	[smem:$0x3FB3] =	sst s10  }
0x35: {  	s10 =	sld [smem:$0x3FB2];
	_ =	sdelay $0x3  }
0x36: {  	p1 =	seq.s32 s10, $0x1;
	s10 =	sld [smem:$0x3FB3];
	_ =	sdelay $0x3  }
0x37: {  	[smem:$0x3FB3] =	sst s10  }
0x38: {  	s10 =	sld [smem:$0x3FB4]  }
0x39: {  	_ = 	snop;
	(pc) =	sbr.ind lr, $3  }
0x3a: {  	_ = 	snop  }
0x3b: {  	_ = 	snop  }
0x3c: {  	p2 =	seq.s32 s10, $0x1;
	s10 =	sld [smem:$0x3FB3]  }
0x3d: {  	_ =	shalt  }
0x3e: {  	_ =	shalt  }
0x3f: {  	_ =	shalt  }
0x40: {  	_ =	shalt  }
0x41: {  	_ =	shalt  }
0x42: {  	_ =	shalt  }
0x43: {  	_ =	shalt  }
0x44: {  	_ =	shalt  }
0x45: {  	_ =	shalt  }
0x46: {  	_ =	shalt  }
0x47: {  	_ =	shalt  }
0x48: {  	_ =	shalt  }
0x49: {  	_ =	shalt  }
0x4a: {  	_ =	shalt  }
0x4b: {  	_ =	shalt  }
0x4c: {  	_ =	shalt  }
0x4d: {  	_ =	shalt  }
0x4e: {  	_ =	shalt  }
0x4f: {  	_ =	shalt  }
0x50: {  	_ =	shalt  }
0x51: {  	_ =	shalt  }
0x52: {  	_ =	shalt  }
0x53: {  	_ =	shalt  }
0x54: {  	_ =	shalt  }
0x55: {  	_ =	shalt  }
0x56: {  	_ =	shalt  }
0x57: {  	_ =	shalt  }
0x58: {  	_ =	shalt  }
0x59: {  	_ =	shalt  }
0x5a: {  	_ =	shalt  }
0x5b: {  	_ =	shalt  }
0x5c: {  	_ =	shalt  }
0x5d: {  	_ =	shalt  }
0x5e: {  	_ =	shalt  }
0x5f: {  	_ =	shalt  }
0x60: {  	_ =	shalt  }
0x61: {  	_ =	shalt  }
0x62: {  	_ =	shalt  }
0x63: {  	_ =	shalt  }
0x64: {  	_ =	shalt  }
0x65: {  	_ =	shalt  }
0x66: {  	_ =	shalt  }
0x67: {  	_ =	shalt  }
0x68: {  	_ =	shalt  }
0x69: {  	_ =	shalt  }
0x6a: {  	_ =	shalt  }
0x6b: {  	_ =	shalt  }
0x6c: {  	_ =	shalt  }
0x6d: {  	_ =	shalt  }
0x6e: {  	_ =	shalt  }
0x6f: {  	_ =	shalt  }
0x70: {  	_ =	shalt  }
0x71: {  	_ =	shalt  }
0x72: {  	_ =	shalt  }
0x73: {  	_ =	shalt  }
0x74: {  	_ =	shalt  }
0x75: {  	_ =	shalt  }
0x76: {  	_ =	shalt  }
0x77: {  	_ =	shalt  }
0x78: {  	_ =	shalt  }
0x79: {  	_ =	shalt  }
0x7a: {  	_ =	shalt  }
0x7b: {  	_ =	shalt  }
0x7c: {  	_ =	shalt  }
0x7d: {  	_ =	shalt  }
0x7e: {  	_ =	shalt  }
0x7f: {  	_ =	shalt  }
0x80: {  	_ =	shalt  }
0x81: {  	_ =	shalt  }
0x82: {  	_ =	shalt  }
0x83: {  	_ =	shalt  }
0x84: {  	_ =	shalt  }
0x85: {  	_ =	shalt  }
0x86: {  	_ =	shalt  }
0x87: {  	_ =	shalt  }
.Lfunc_end0:
.L_simem_size_0:
called_computation_lowered:
.L_overlay_start_0:
0x88: {  	s2 =	sld [smem:$0x3FD9]  }
0x89: {  	s3 =	sld [smem:$0x3FFE];
	_ =	sdelay $0x1  }
0x8a: {  	s1 =	srdreg.scid  }
0x8b: {  	s0 =	sand.u32 $0x1, s1  }
0x8c: {  	s17 =	sshll.u32 s0, $0xA;
	s2 =	sadd.s32 s3, s2  }
0x8d: {  	s2 =	sadd.s32 s2, s17  }
0x8e: {  	[smem:$0x3FBF] =	sst s2  }
0x8f: {  	_ = 	snop  }
0x90: {  	s2 =	sld [smem:$0x3FC8]  }
0x91: {  	s18 =	sld [smem:$0x3FD0];
	(tm) =	ssettm $0x1  }
0x92: {  	s4 =	sld [smem:$0x3FFB];
	_ =	sdelay $0x3  }
0x93: {  	_ =	strace s4  }
0x94: {  	s4 =	sld [smem:$0x3FFC];
	_ =	sdelay $0x3  }
0x95: {  	_ =	strace s4  }
0x96: {  	s4 =	sld [smem:$0x3FFD];
	_ =	sdelay $0x3  }
0x97: {  	_ =	strace s4  }
0x98: {  	_ =	strace $0x8FFFFFFF  }
0x99: {  	s19 =	sld [smem:$0x3FDB];
	_ =	sdelay $0x1  }
0x9a: {  	s5 =	simm.s32 $_scs_section_size  }
0x9b: {  	s6 =	simm.s32 $_size__tile_overlayer_lowered;
	s7 =	simm.s32 $_tile_overlayer_lowered  }
0x9c: {  	s22 =	simm.s32 $0x1BFF;
	s21 =	sshll.u32 s7, $0x1;
	s4 =	sadd.s32 s5, s19  }
0x9d: {  	s8 =	simm.s32 $0x0;
	s20 =	sshll.u32 s6, $0x1;
	s6 =	sadd.s32 s21, s4  }
0x9e: {  	[timem:s8], [sflag:s22] =	dma.local [hbm:s6], s20  }
0x9f: {  	_ =	swait.ge [sflag:s22], s20  }
0xa0: {  	s5 =	ssub.s32 $0x0, s20;
	[sflag:s22] =	ssyncset.done $0x0  }
0xa1: {  	[sflag:s22] =	ssyncadd.s32 s5;
	_ =	sdelay $0x1  }
0xa2: {  	s23 =	simm.s32 $0x1B8B  }
0xa3: {  	_ =	swait.ge [sflag:s23], $0x1  }
0xa4: {  	[sflag:s23] =	ssyncset.done $0x0  }
0xa5: {  	s25 =	simm.s32 $0x1B8E;
	s24 =	sld [smem:$0x3FFE];
	[sflag:s23] =	ssyncadd.s32 $0xFFFFFFFF  }
0xa6: {  	s26 =	simm.s32 $execute0_lowered;
	[smem:$0x3FD2] =	sst s25  }
0xa7: {  	s6 =	sshll.u32 s26, $0x1;
	_ =	strace $0x80000046;
	[dreg:$0x1] =	wrdreg $0xFFFFFFFF  }
0xa8: {  	s28 =	simm.s32 $_size_execute0_lowered;
	s4 =	sadd.s32 s4, s6;
	[dreg:$0x0] =	wrdreg $0x0  }
0xa9: {  	s6 =	sshll.u32 s28, $0x1;
	[dreg:$0x2] =	wrdreg s4  }
0xaa: {  	[dreg:$0x3] =	wrdreg s6  }
0xab: {  	[dreg:$0x4] =	wrdreg $0xC0  }
0xac: {  	_ =	task [dreg:s8], $0x5FFFF  }
0xad: {  	[dreg:$0x1] =	wrdreg $0xFFFFFFFF  }
0xae: {  	[dreg:$0x0] =	wrdreg $0x60  }
0xaf: {  	[dreg:$0x2] =	wrdreg s18  }
0xb0: {  	[dreg:$0x3] =	wrdreg s2  }
0xb1: {  	[dreg:$0x4] =	wrdreg s24  }
0xb2: {  	[dreg:$0x5] =	wrdreg $0xA8000  }
0xb3: {  	[dreg:$0x6] =	wrdreg $0x9  }
0xb4: {  	_ =	task.clear_ibuf [dreg:s8], $0x7FFFF;
	_ =	strace $0x90000046  }
0xb5: {  	s29 =	simm.s32 $0x9;
	_ =	strace $0x80000048  }
0xb6: {  	_ =	swait.ge [sflag:s29], $0x1  }
0xb7: {  	[sflag:s29] =	ssyncadd.s32 $0xFFFFFFFF  }
0xb8: {  	_ =	strace $0x90000048  }
0xb9: {  	_ =	sfence  }
0xba: {  	s30 =	sld [smem:$0x0];
	_ =	sdelay $0x2  }
0xbb: {  	s31 =	sshll.u32 s1, $0xD;
	s1 =	sshrl.u32 s1, $0x2  }
0xbc: {  	s3 =	sand.u32 $0x4000, s31;
	s1 =	sadd.s32 s1, s30  }
0xbd: {  	s0 =	sor.u32 s3, s0;
	s1 =	sshll.u32 s1, $0x11  }
0xbe: {  	s0 =	sor.u32 s1, s0  }
0xbf: {  	s0 =	sadd.s32 $0x8F2B, s0  }
0xc0: {  	[sflag:s0] =	ssyncadd.remote.s32 $0x1  }
0xc1: {  	_ =	sfence.sel $0xFFFF  }
0xc2: {  	[dreg:$0x0] =	wrdreg $0xFFFFFFFF;
	(pc) =	sbr.abs _section_cstart, $3  }
0xc3: {  	[dreg:$0x1] =	wrdreg $0xFFFFFFFF  }
0xc4: {  	_ =	task.clear_ibuf [dreg:s8], $0x2FFFF;
	_ =	strace $0x9FFFFFFF  }
0xc5: {  	(tm) =	ssettm $0x7FFFFFFF  }
tec
execute0_lowered:
.L_overlay_start_1:
0x0: {  	(tag) =	ssettag $0x1  }
0x1: {  	s0 =	rddreg [dreg:$0x0]  }
0x2: {  	s1 =	rddreg [dreg:$0x1]  }
0x3: {  	s2 =	rddreg [dreg:$0x2];
	s3 =	srdreg.scid  }
0x4: {  	s4 =	rddreg [dreg:$0x3];
	s12 =	stileid.u32;
	s5 =	simm.s32 $0x0  }
0x5: {  	s28 =	simm.s32 $0x2780;
	s29 =	simm.s32 $0x3;
	s7 =	smul.u32 $0x13C00, s12  }
0x6: {  	s30 =	simm.s32 $0x5;
	s31 =	simm.s32 $0x2;
	s18 =	smul.u32 $0x4F000, s12  }
0x7: {  	s3 =	sand.u32 $0x1, s3;
	[smem:$0x7FF] =	sst s5;
	s19 =	smul.u32 $0x4E00, s12  }
0x8: {  	s17 =	sshll.u32 s12, $0x1;
	p0 =	sgt.u32 s12, $0x1;
	s6 =	smul.u32 $0x13C000, s3  }
0x9: {  	s8 =	ssub.s32 $0x2, s3;
	s9 =	sor.u32 s3, s17;
	s3 =	smul.u32 $0x2700, s3  }
0xa: {  	_ =	strace $0x80000047;
	s10 =	sshrl.u32 s8, $0x1;
	s11 =	smul.u32 $0x9C0, s9  }
0xb: {  	s9 =	sshll.u32 s9, $0x5;
	s6 =	sadd.s32 s7, s6;
	s8 =	ssub.s32 s8, s10  }
0xc: {  	s7 =	sshrl.u32 s18, $0x2;
	s9 =	sadd.s32 s9, s1;
	s3 =	sadd.s32 s3, s19  }
0xd: {  	s6 =	sshrl.u32 s6, $0x3;
	s7 =	sadd.s32 s7, s4;
	s14 =	sadd.s32 $0x13810, s9  }
0xe: {  	s25 =	sadd.s32 $0x180, s3;
	s15 =	sadd.s32 $0x13800, s9;
	s17 =	smax.u32 s8, $0x1  }
0xf: {  	s19 =	sadd.s32 $0x100, s3;
	s3 =	simm.s32 $0x0;
	s20 =	sadd.s32 $0x4000, s7  }
0x10: {  	s2 =	sadd.s32 s6, s2;
	s21 =	sadd.s32 $0x8000, s7;
	[dreg:$0x6] =	wrdreg s20  }
0x11: {  	s6 =	sadd.s32 s1, s11;
	s22 =	sadd.s32 $0xC000, s7;
	[dreg:$0x7] =	wrdreg s21  }
0x12: {  	s23 =	sadd.s32 $0x10000, s7;
	s26 =	sshrl.u32 s25, $0x2;
	[dreg:$0x8] =	wrdreg s22  }
0x13: {  	s25 =	simm.s32 $0x6800;
	s11 =	sadd.s32 $0x10, s6;
	[dreg:$0x9] =	wrdreg s23  }
0x14: {  	s24 =	sadd.s32 $0x20, s6;
	s16 =	sadd.s32 $0x1C00, s2;
	s18 =	sadd.s32 s26, s1  }
0x15: {  	s20 =	simm.s32 $0x80;
	s22 =	simm.s32 $0x1;
	s23 =	simm.s32 $0x2800  }
0x16: {  	s26 =	simm.s32 $0x7;
	s2 =	simm.s32 $0x4;
	[dreg:$0x5] =	wrdreg s11  }
0x17: {  	v0 =	vimm.f32 $0.0e+00;
	s21 =	simm.s32 $0x6;
	[dreg:$0xa] =	wrdreg s24;
	s24 =	simm.s32 $0x2700  }
.LBB2_1:
0x18: {  	s8 =	rddreg [dreg:$0x5];
	s9 =	simm.s32 $0x100  }
0x19: {  	[tilespmem:s5], [sflag:$0x1] =	stream.strided.gather [hbm4b:s8+s20], $0x2700, s9, s20, $0x38;
	[tilespmem:$0x1E400] =	vst v63  }
0x1a: {  	s8 =	simm.s32 $0x0;
	s9 =	simm.s32 $0x200  }
.LBB2_2:
0x1b: {  	p1 =	sne.s32 s9, $0xFE00;
	[tilespmem:s8+$0x6870] =	vst v0  }
0x1c: {  	[tilespmem:s8+$0x6800] =	vst v0  }
0x1d: {  	[tilespmem:s8+$0x6810] =	vst v0  }
.Ltmp0:
0x1e: {  	[tilespmem:s8+$0x6820] =	vst v0;
	(pc) =	sbr.rel @p1 .LBB2_2-.Ltmp0, $4  }
0x1f: {  	[tilespmem:s8+$0x6830] =	vst v0  }
0x20: {  	[tilespmem:s8+$0x6840] =	vst v0  }
0x21: {  	[tilespmem:s8+$0x6850] =	vst v0  }
0x22: {  	[tilespmem:s8+$0x6860] =	vst v0;
	s8 =	sshra.s32 s9, $0x2;
	s9 =	sadd.s32 $0x200, s9  }
0x23: {  	[tilespmem:s8+$0x6870] =	vst v0  }
0x24: {  	[tilespmem:s8+$0x6800] =	vst v0  }
0x25: {  	[tilespmem:s8+$0x6810] =	vst v0  }
0x26: {  	[tilespmem:s8+$0x6820] =	vst v0  }
0x27: {  	[tilespmem:s8+$0x6830] =	vst v0  }
0x28: {  	[tilespmem:s8+$0x6840] =	vst v0  }
0x29: {  	[tilespmem:s8+$0x6850] =	vst v0  }
0x2a: {  	[tilespmem:s8+$0x6860] =	vst v0  }
0x2b: {  	_ =	swait.ge [sflag:s22], $0x2700  }
0x2c: {  	[sflag:s22] =	ssyncset.done $0x0  }
0x2d: {  	s8 =	simm.s32 $0x0;
	[sflag:s22] =	ssyncadd.s32 $0xFFFFD900  }
0x2e: {  	[tilespmem:s23], [sflag:$0x1] =	stream.indirect.gather [hbm4b:s0+s20], $0x80, s8, s20, $0xb8;
	[tilespmem:$0x1E400] =	vst v63  }
0x2f: {  	_ = 	snop  }
0x30: {  	[tilespmem:s24], [sflag:$0x3] =	stream.linear.gather [hbm4b:s6+s8], $0x80, $0x38;
	[tilespmem:$0x1E400] =	vst v63  }
0x31: {  	_ = 	snop  }
0x32: {  	[spmem:s7] =	stream.linear.scatter [tilespmem:s25], [sflag:$0x7], $0x4000, $0x38;
	[tilespmem:$0x1E400] =	vst v63  }
0x33: {  	_ =	swait.ge [sflag:s26], $0x4000  }
0x34: {  	[sflag:s26] =	ssyncset.done $0x0  }
0x35: {  	s9 =	rddreg [dreg:$0x6];
	[sflag:s26] =	ssyncadd.s32 $0xFFFFC000  }
0x36: {  	[spmem:s9] =	stream.linear.scatter [tilespmem:s25], [sflag:$0x7], $0x4000, $0x38;
	[tilespmem:$0x1E400] =	vst v63  }
0x37: {  	_ =	swait.ge [sflag:s26], $0x4000  }
0x38: {  	[sflag:s26] =	ssyncset.done $0x0  }
0x39: {  	s10 =	rddreg [dreg:$0x7];
	[sflag:s26] =	ssyncadd.s32 $0xFFFFC000  }
0x3a: {  	[spmem:s10] =	stream.linear.scatter [tilespmem:s25], [sflag:$0x7], $0x4000, $0x38;
	[tilespmem:$0x1E400] =	vst v63  }
0x3b: {  	_ =	swait.ge [sflag:s26], $0x4000  }
0x3c: {  	[sflag:s26] =	ssyncset.done $0x0  }
0x3d: {  	s11 =	rddreg [dreg:$0x8];
	[sflag:s26] =	ssyncadd.s32 $0xFFFFC000  }
0x3e: {  	[spmem:s11] =	stream.linear.scatter [tilespmem:s25], [sflag:$0x7], $0x4000, $0x38;
	[tilespmem:$0x1E400] =	vst v63  }
0x3f: {  	_ =	swait.ge [sflag:s26], $0x4000  }
0x40: {  	[sflag:s26] =	ssyncset.done $0x0  }
0x41: {  	s12 =	rddreg [dreg:$0x9];
	[sflag:s26] =	ssyncadd.s32 $0xFFFFC000  }
0x42: {  	[spmem:s12] =	stream.linear.scatter [tilespmem:s25], [sflag:$0x7], $0x3C00, $0x38;
	[tilespmem:$0x1E400] =	vst v63  }
0x43: {  	_ =	swait.ge [sflag:s26], $0x3C00  }
0x44: {  	[sflag:s26] =	ssyncset.done $0x0  }
0x45: {  	[sflag:s26] =	ssyncadd.s32 $0xFFFFC400  }
0x46: {  	[bflag:$0x0] =	sbarrier.arrive $0xFFFF  }
0x47: {  	[tilespmem:s25], [sflag:$0x2] =	stream.indirect.gather [hbm4b:s0+s20], $0x80, s20, s20, $0xb8;
	[tilespmem:$0x1E400] =	vst v63  }
0x48: {  	s13 =	rddreg [dreg:$0xa]  }
0x49: {  	[tilespmem:s28], [sflag:$0x4] =	stream.linear.gather [hbm4b:s13+s8], $0x80, $0x38;
	[tilespmem:$0x1E400] =	vst v63  }
0x4a: {  	_ =	swait.ge [sflag:s22], $0x4000  }
0x4b: {  	[sflag:s22] =	ssyncset.done $0x0  }
0x4c: {  	[sflag:s22] =	ssyncadd.s32 $0xFFFFC000  }
0x4d: {  	_ =	swait.ge [sflag:s29], $0x80  }
0x4e: {  	[sflag:s29] =	ssyncset.done $0x0  }
0x4f: {  	[sflag:s29] =	ssyncadd.s32 $0xFFFFFF80  }
0x50: {  	[spmem:s4] =	stream.indirect.scatter.add.f32 [tilespmem:s23], [sflag:$0x5], $0x80, s24, s20, $0xb8;
	[tilespmem:$0x1E400] =	vst v63  }
0x51: {  	_ =	swait.ge [sflag:s30], $0x4000  }
0x52: {  	[sflag:s30] =	ssyncset.done $0x0  }
0x53: {  	s9 =	simm.s32 $0x100;
	s10 =	sshrl.u32 s19, $0x2;
	[sflag:s30] =	ssyncadd.s32 $0xFFFFC000  }
0x54: {  	[tilespmem:s23], [sflag:$0x1] =	stream.indirect.gather [hbm4b:s0+s20], $0x80, s9, s20, $0xb8;
	[tilespmem:$0x1E400] =	vst v63  }
0x55: {  	s11 =	sadd.s32 s1, s10  }
0x56: {  	[tilespmem:s24], [sflag:$0x3] =	stream.linear.gather [hbm4b:s11+s5], $0x80, $0x38;
	[tilespmem:$0x1E400] =	vst v63  }
0x57: {  	_ =	swait.ge [sflag:s31], $0x4000  }
0x58: {  	[sflag:s31] =	ssyncset.done $0x0  }
0x59: {  	[sflag:s31] =	ssyncadd.s32 $0xFFFFC000  }
0x5a: {  	_ =	swait.ge [sflag:s2], $0x80  }
0x5b: {  	[sflag:s2] =	ssyncset.done $0x0  }
0x5c: {  	[sflag:s2] =	ssyncadd.s32 $0xFFFFFF80  }
0x5d: {  	[spmem:s4] =	stream.indirect.scatter.add.f32 [tilespmem:s25], [sflag:$0x6], $0x80, s28, s20, $0xb8;
	[tilespmem:$0x1E400] =	vst v63  }
0x5e: {  	_ =	swait.ge [sflag:s21], $0x4000  }
0x5f: {  	[sflag:s21] =	ssyncset.done $0x0  }
0x60: {  	s12 =	simm.s32 $0x180;
	[sflag:s21] =	ssyncadd.s32 $0xFFFFC000  }
0x61: {  	[tilespmem:s25], [sflag:$0x2] =	stream.indirect.gather [hbm4b:s0+s20], $0x80, s12, s20, $0xb8;
	[tilespmem:$0x1E400] =	vst v63  }
0x62: {  	s13 =	sadd.s32 $0x0, s18  }
0x63: {  	[tilespmem:s28], [sflag:$0x4] =	stream.linear.gather [hbm4b:s13+s5], $0x80, $0x38;
	[tilespmem:$0x1E400] =	vst v63  }
0x64: {  	_ =	swait.ge [sflag:s22], $0x4000  }
0x65: {  	[sflag:s22] =	ssyncset.done $0x0  }
0x66: {  	[sflag:s22] =	ssyncadd.s32 $0xFFFFC000  }
0x67: {  	_ =	swait.ge [sflag:s29], $0x80  }
0x68: {  	s10 =	sadd.s32 $0x100, s19;
	[sflag:s29] =	ssyncset.done $0x0  }
0x69: {  	s8 =	simm.s32 $0x40;
	s9 =	simm.s32 $0x280;
	[sflag:s29] =	ssyncadd.s32 $0xFFFFFF80  }
.LBB2_4:
0x6a: {  	[spmem:s4] =	stream.indirect.scatter.add.f32 [tilespmem:s23], [sflag:$0x5], $0x80, s24, s20, $0xb8;
	[tilespmem:$0x1E400] =	vst v63  }
0x6b: {  	s11 =	smov.u32 s8  }
0x6c: {  	p1 =	sne.s32 s8, $0x940;
	s8 =	sadd.s32 $0x40, s8;
	_ =	swait.ge [sflag:s30], $0x4000  }
0x6d: {  	[sflag:s30] =	ssyncset.done $0x0  }
0x6e: {  	s12 =	sadd.s32 $0xFFFFFF80, s9;
	s13 =	sshrl.u32 s10, $0x2;
	[sflag:s30] =	ssyncadd.s32 $0xFFFFC000  }
0x6f: {  	[tilespmem:s23], [sflag:$0x1] =	stream.indirect.gather [hbm4b:s0+s20], $0x80, s12, s20, $0xb8;
	[tilespmem:$0x1E400] =	vst v63  }
0x70: {  	s12 =	sadd.s32 s1, s13  }
0x71: {  	[tilespmem:s24], [sflag:$0x3] =	stream.linear.gather [hbm4b:s12+s5], $0x80, $0x38;
	[tilespmem:$0x1E400] =	vst v63  }
0x72: {  	_ =	swait.ge [sflag:s31], $0x4000  }
0x73: {  	[sflag:s31] =	ssyncset.done $0x0  }
0x74: {  	[sflag:s31] =	ssyncadd.s32 $0xFFFFC000  }
0x75: {  	_ =	swait.ge [sflag:s2], $0x80  }
0x76: {  	[sflag:s2] =	ssyncset.done $0x0  }
0x77: {  	[sflag:s2] =	ssyncadd.s32 $0xFFFFFF80  }
0x78: {  	[spmem:s4] =	stream.indirect.scatter.add.f32 [tilespmem:s25], [sflag:$0x6], $0x80, s28, s20, $0xb8;
	[tilespmem:$0x1E400] =	vst v63  }
0x79: {  	_ =	swait.ge [sflag:s21], $0x4000  }
0x7a: {  	[sflag:s21] =	ssyncset.done $0x0  }
0x7b: {  	[sflag:s21] =	ssyncadd.s32 $0xFFFFC000  }
0x7c: {  	[tilespmem:s25], [sflag:$0x2] =	stream.indirect.gather [hbm4b:s0+s20], $0x80, s9, s20, $0xb8;
	[tilespmem:$0x1E400] =	vst v63  }
0x7d: {  	s11 =	sadd.s32 s11, s18  }
0x7e: {  	[tilespmem:s28], [sflag:$0x4] =	stream.linear.gather [hbm4b:s11+s5], $0x80, $0x38;
	[tilespmem:$0x1E400] =	vst v63  }
0x7f: {  	_ =	swait.ge [sflag:s22], $0x4000  }
.Ltmp1:
0x80: {  	[sflag:s22] =	ssyncset.done $0x0;
	(pc) =	sbr.rel @p1 .LBB2_4-.Ltmp1, $4  }
0x81: {  	[sflag:s22] =	ssyncadd.s32 $0xFFFFC000  }
0x82: {  	_ =	swait.ge [sflag:s29], $0x80  }
0x83: {  	[sflag:s29] =	ssyncset.done $0x0  }
0x84: {  	s10 =	sadd.s32 $0x100, s10;
	s9 =	sadd.s32 $0x100, s9;
	[sflag:s29] =	ssyncadd.s32 $0xFFFFFF80  }
0x85: {  	[spmem:s4] =	stream.indirect.scatter.add.f32 [tilespmem:s23], [sflag:$0x5], $0x80, s24, s20, $0xb8;
	[tilespmem:$0x1E400] =	vst v63  }
0x86: {  	_ =	swait.ge [sflag:s30], $0x4000  }
0x87: {  	[sflag:s30] =	ssyncset.done $0x0  }
0x88: {  	[sflag:s30] =	ssyncadd.s32 $0xFFFFC000  }
0x89: {  	_ =	swait.ge [sflag:s31], $0x4000  }
0x8a: {  	[sflag:s31] =	ssyncset.done $0x0  }
0x8b: {  	[sflag:s31] =	ssyncadd.s32 $0xFFFFC000  }
0x8c: {  	_ =	swait.ge [sflag:s2], $0x80  }
0x8d: {  	[sflag:s2] =	ssyncset.done $0x0  }
0x8e: {  	[sflag:s2] =	ssyncadd.s32 $0xFFFFFF80  }
0x8f: {  	[spmem:s4] =	stream.indirect.scatter.add.f32 [tilespmem:s25], [sflag:$0x6], $0x80, s28, s20, $0xb8;
	[tilespmem:$0x1E400] =	vst v63  }
0x90: {  	_ =	swait.ge [sflag:s21], $0x4000  }
0x91: {  	[sflag:s21] =	ssyncset.done $0x0  }
0x92: {  	s8 =	simm.s32 @!p0 $0x0;
	s9 =	simm.s32 @!p0 $0x7;
	[sflag:s21] =	ssyncadd.s32 $0xFFFFC000  }
0x93: {  	[tilespmem:s8], [sflag:$0x7] =	stream.linear.gather @!p0 [hbm4b:s14+s8], $0x80, $0x38;
	[tilespmem:$0x1E400] =	vst v63  }
0x94: {  	_ =	swait.ge @!p0 [sflag:s9], $0x80  }
0x95: {  	[sflag:s9] =	ssyncset.done @!p0 $0x0  }
0x96: {  	s10 =	simm.s32 @!p0 $0x2700;
	[sflag:s9] =	ssyncadd.s32 @!p0 $0xFFFFFF80  }
0x97: {  	[tilespmem:s10], [sflag:$0x3] =	stream.linear.gather @!p0 [hbm4b:s15+s8], $0x80, $0x38;
	[tilespmem:$0x1E400] =	vst v63  }
0x98: {  	s11 =	simm.s32 @!p0 $0x80;
	s12 =	simm.s32 @!p0 $0x2800  }
0x99: {  	[tilespmem:s12], [sflag:$0x1] =	stream.indirect.gather @!p0 [hbm4b:s0+s11], $0x80, s8, s11, $0xb8;
	[tilespmem:$0x1E400] =	vst v63  }
0x9a: {  	s8 =	simm.s32 @!p0 $0x3  }
0x9b: {  	_ =	swait.ge @!p0 [sflag:s8], $0x80  }
0x9c: {  	[sflag:s8] =	ssyncset.done @!p0 $0x0  }
0x9d: {  	[sflag:s8] =	ssyncadd.s32 @!p0 $0xFFFFFF80;
	s8 =	simm.s32 @!p0 $0x1  }
0x9e: {  	_ =	swait.ge @!p0 [sflag:s8], $0x4000  }
0x9f: {  	[sflag:s8] =	ssyncset.done @!p0 $0x0  }
0xa0: {  	[sflag:s8] =	ssyncadd.s32 @!p0 $0xFFFFC000  }
0xa1: {  	[spmem:s4] =	stream.indirect.scatter.add.f32 @!p0 [tilespmem:s12], [sflag:$0x7], $0x80, s10, s11, $0xb8;
	[tilespmem:$0x1E400] =	vst v63  }
0xa2: {  	s13 =	sshrl.u32 s7, $0x3;
	_ =	swait.ge @!p0 [sflag:s9], $0x4000  }
0xa3: {  	s3 =	sadd.s32 $0x1, s3;
	s12 =	stileid.u32;
	[sflag:s9] =	ssyncset.done @!p0 $0x0  }
0xa4: {  	p1 =	sne.s32 s3, s17;
	s8 =	sshll.u32 s12, $0x6;
	[sflag:s9] =	ssyncadd.s32 @!p0 $0xFFFFC000  }
.Ltmp2:
0xa5: {  	s8 =	sor.u32 $0x1C07, s8;
	[bflag:$0x0] =	sbarrier.arrive $0xFFFF;
	(pc) =	sbr.rel @p1 .LBB2_1-.Ltmp2, $4  }
0xa6: {  	[hbm:s16], [sflag:s8] =	dma.local [spmem:s13], $0x2780  }
0xa7: {  	_ =	swait.ge [sflag:s26], $0x2780  }
0xa8: {  	[sflag:s26] =	ssyncset.done $0x0  }
0xa9: {  	[sflag:s26] =	ssyncadd.s32 $0xFFFFD880  }
0xaa: {  	_ =	sfence.sel $0x180000  }
0xab: {  	[bflag:$0x0] =	sbarrier.arrive $0xFFFF  }
0xac: {  	_ =	strace $0x90000047  }
0xad: {  	s0 =	stileid.u32;
	[bflag:$0x2] =	sbarrier.arrive $0xFFFF  }
0xae: {  	p0 =	sne.s32 s0, $0x0;
	s0 =	rddreg [dreg:$0x4]  }
0xaf: {  	s0 =	sadd.s32 @!p0 $0x100000, s0  }
0xb0: {  	[sflag:s0] =	ssyncadd.tile.s32 @!p0 $0x1;
	_ =	shalt  }
.Lfunc_end2:
_tile_overlayer_lowered:
.L_overlay_start_2:
0xb1: {  	(tag) =	ssettag $0x2  }
0xb2: {  	s0 =	rddreg [dreg:$0x0];
	s2 =	stileid.u32  }
0xb3: {  	s1 =	rddreg [dreg:$0x1];
	p0 =	sne.s32 s2, $0x0  }
0xb4: {  	s3 =	rddreg [dreg:$0x2];
	[bflag:$0x3] =	sbarrier.arrive $0xFFFF;
	s2 =	simm.s32 @!p0 $0x1C07  }
0xb5: {  	[timem:s3], [sflag:s2] =	dma.local @!p0 [hbm:s0], s1  }
0xb6: {  	s0 =	simm.s32 @!p0 $0x7  }
0xb7: {  	_ =	swait.ge @!p0 [sflag:s0], s1  }
0xb8: {  	s1 =	ssub.s32 @!p0 $0x0, s1;
	[sflag:s0] =	ssyncset.done @!p0 $0x0  }
0xb9: {  	[sflag:s0] =	ssyncadd.s32 @!p0 s1  }
0xba: {  	[bflag:$0x3] =	sbarrier.arrive $0xFFFF  }
0xbb: {  	_ =	shalt  }

</sc_bundles>
